<compile_context>
chip_gen: v7x
topology: tpu7x:2x2x1
jax: 0.10.2.dev20260603
libtpu: 0.0.44.dev20260713+nightly
codegen_flags: <defaults>
</compile_context>

<pallas_src>
import jax
import jax.numpy as jnp
from jax import lax
from jax.experimental import pallas as pl
from jax.experimental.pallas import tpu as pltpu
from jax.experimental.pallas import tpu_sc as plsc

N_NODES = 10000
N_EDGES = 320000
DIM = 128
NUM_GRAPHS = 64

_NC, _NS = 2, 16
_NW = _NC * _NS
_CHUNK = 128
_CPW = 80
_EPW = _CPW * _CHUNK
_EPAD = _NW * _EPW
_NPAD = 10240
_PAD_DST = 10200
_ZROWS = _NPAD // _NS


def _sc_agg(x, src_p, dst3, zeros):
    mesh = plsc.VectorSubcoreMesh(
        core_axis_name="c", subcore_axis_name="s", num_cores=_NC, num_subcores=_NS
    )

    def body(x_hbm, src_hbm, dst_hbm, z_hbm, out_hbm,
             sidx0, didx0, sidx1, didx1, rows0, rows1, acc, sem0, sem1):
        c = lax.axis_index("c")
        s = lax.axis_index("s")
        wid = s * _NC + c
        pltpu.sync_copy(z_hbm, acc.at[pl.ds(s * _ZROWS, _ZROWS)])
        plsc.subcore_barrier()
        ebase = pl.multiple_of(wid * _EPW, 8)

        def idx_load(j, sidx, didx):
            b = pl.multiple_of(ebase + j * _CHUNK, 8)
            pltpu.sync_copy(src_hbm.at[pl.ds(b, _CHUNK)], sidx)
            pltpu.sync_copy(dst_hbm.at[pl.ds(b, _CHUNK)], didx)

        def gather_start(sidx, buf, sem):
            pltpu.async_copy(x_hbm.at[sidx], buf, sem)

        def gather_wait(sidx, buf, sem):
            pltpu.make_async_copy(x_hbm.at[sidx], buf, sem).wait()

        def scatter_add(didx, buf):
            pltpu.sync_copy(buf, acc.at[didx], add=True)

        idx_load(0, sidx0, didx0)
        gather_start(sidx0, rows0, sem0)
        nt = _CPW // 2

        def step(t, carry):
            j0 = t * 2
            idx_load(j0 + 1, sidx1, didx1)
            gather_start(sidx1, rows1, sem1)
            gather_wait(sidx0, rows0, sem0)
            scatter_add(didx0, rows0)

            @pl.when(t + 1 < nt)
            def _():
                idx_load(j0 + 2, sidx0, didx0)
                gather_start(sidx0, rows0, sem0)

            gather_wait(sidx1, rows1, sem1)
            scatter_add(didx1, rows1)
            return carry

        lax.fori_loop(0, nt, step, 0)
        plsc.subcore_barrier()
        rb = s * _ZROWS
        pltpu.sync_copy(
            acc.at[pl.ds(rb, _ZROWS)],
            out_hbm.at[pl.ds(c * _NPAD + rb, _ZROWS)],
        )

    k = pl.kernel(
        body,
        out_type=jax.ShapeDtypeStruct((2 * _NPAD, DIM), jnp.float32),
        mesh=mesh,
        scratch_types=[
            pltpu.VMEM((_CHUNK,), jnp.int32),
            pltpu.VMEM((_CHUNK,), jnp.int32),
            pltpu.VMEM((_CHUNK,), jnp.int32),
            pltpu.VMEM((_CHUNK,), jnp.int32),
            pltpu.VMEM((_CHUNK, DIM), jnp.float32),
            pltpu.VMEM((_CHUNK, DIM), jnp.float32),
            pltpu.VMEM_SHARED((_NPAD, DIM), jnp.float32),
            pltpu.SemaphoreType.DMA,
            pltpu.SemaphoreType.DMA,
        ],
    )
    return k(x, src_p, dst3, zeros)


_ROW_BLK = 1000


def _mlp_body(x_ref, p0_ref, p1_ref, wa_ref, ba_ref, wb_ref, bb_ref, o_ref):
    t = x_ref[...] + p0_ref[...] + p1_ref[...]
    t = jnp.dot(t, wa_ref[...], preferred_element_type=jnp.float32) + ba_ref[...]
    t = jnp.maximum(t, 0.0)
    t = jnp.dot(t, wb_ref[...], preferred_element_type=jnp.float32) + bb_ref[...]
    o_ref[...] = jnp.maximum(t, 0.0)


def _mlp(h_in, p0, p1, Wa, ba, Wb, bb, interpret=False):
    blk = pl.BlockSpec((_ROW_BLK, DIM), lambda i: (i, 0))
    wblk = pl.BlockSpec((DIM, DIM), lambda i: (0, 0))
    bblk = pl.BlockSpec((1, DIM), lambda i: (0, 0))
    return pl.pallas_call(
        _mlp_body,
        grid=(N_NODES // _ROW_BLK,),
        in_specs=[blk, blk, blk, wblk, bblk, wblk, bblk],
        out_specs=blk,
        out_shape=jax.ShapeDtypeStruct((N_NODES, DIM), jnp.float32),
        interpret=interpret,
    )(h_in, p0, p1, Wa, ba.reshape(1, DIM), Wb, bb.reshape(1, DIM))


def _mlp_pool_head_body(x_ref, p0_ref, p1_ref, wa_ref, ba_ref, wb_ref, bb_ref,
                        b_ref, wl_ref, bl_ref, m_ref, wl2_ref, bl2_ref,
                        o_ref, g_acc):
    i = pl.program_id(0)

    @pl.when(i == 0)
    def _():
        g_acc[...] = jnp.zeros_like(g_acc)

    t = x_ref[...] + p0_ref[...] + p1_ref[...]
    t = jnp.dot(t, wa_ref[...], preferred_element_type=jnp.float32) + ba_ref[...]
    t = jnp.maximum(t, 0.0)
    t = jnp.dot(t, wb_ref[...], preferred_element_type=jnp.float32) + bb_ref[...]
    t = jnp.maximum(t, 0.0)

    seg = b_ref[0]
    iota = lax.broadcasted_iota(jnp.int32, (NUM_GRAPHS, _ROW_BLK), 0)
    onehot = (seg == iota).astype(jnp.float32)
    g_acc[...] += jnp.dot(onehot, t, preferred_element_type=jnp.float32)

    @pl.when(i == pl.num_programs(0) - 1)
    def _():
        g = jnp.dot(g_acc[...], wl_ref[...], preferred_element_type=jnp.float32)
        g = jnp.maximum(g + bl_ref[...], 0.0) * m_ref[...]
        o_ref[...] = jnp.dot(g, wl2_ref[...], preferred_element_type=jnp.float32) + bl2_ref[...]


def _mlp_pool_head(h, p0, p1, Wa, ba, Wb, bb, batch3, Wl, bl, smask, Wl2, bl2,
                   interpret=False):
    nblk = N_NODES // _ROW_BLK
    blk = pl.BlockSpec((_ROW_BLK, DIM), lambda i: (i, 0))
    wblk = pl.BlockSpec((DIM, DIM), lambda i: (0, 0))
    bblk = pl.BlockSpec((1, DIM), lambda i: (0, 0))
    return pl.pallas_call(
        _mlp_pool_head_body,
        grid=(nblk,),
        in_specs=[
            blk, blk, blk, wblk, bblk, wblk, bblk,
            pl.BlockSpec((1, 1, _ROW_BLK), lambda i: (i, 0, 0)),
            pl.BlockSpec((DIM, 1024), lambda i: (0, 0)),
            pl.BlockSpec((1, 1024), lambda i: (0, 0)),
            pl.BlockSpec((NUM_GRAPHS, 1024), lambda i: (0, 0)),
            pl.BlockSpec((1024, 1), lambda i: (0, 0)),
            pl.BlockSpec((1, 1), lambda i: (0, 0)),
        ],
        out_specs=pl.BlockSpec((NUM_GRAPHS, 1), lambda i: (0, 0)),
        out_shape=jax.ShapeDtypeStruct((NUM_GRAPHS, 1), jnp.float32),
        scratch_shapes=[pltpu.VMEM((NUM_GRAPHS, DIM), jnp.float32)],
        interpret=interpret,
    )(h, p0, p1, Wa, ba.reshape(1, DIM), Wb, bb.reshape(1, DIM),
      batch3, Wl, bl.reshape(1, 1024), smask, Wl2, bl2.reshape(1, 1))


def kernel(x, edge_index, batch, W1a, b1a, W1b, b1b, W2a, b2a, W2b, b2b, Wl, bl, Wl2, bl2):
    src = edge_index[0]
    dst = edge_index[1]
    npad = _EPAD - N_EDGES
    pad_iota = jnp.arange(npad, dtype=jnp.int32)
    src_p = jnp.concatenate([src, pad_iota % N_NODES])
    pad_dst = N_NODES + (pad_iota % (_NPAD - N_NODES))
    dst3 = jnp.concatenate([dst, pad_dst])
    zeros = jnp.zeros((_ZROWS, DIM), jnp.float32)

    p = _sc_agg(x, src_p, dst3, zeros)
    h = _mlp(x, p[:N_NODES], p[_NPAD:_NPAD + N_NODES], W1a, b1a, W1b, b1b)
    p = _sc_agg(h, src_p, dst3, zeros)

    mask = jax.random.bernoulli(jax.random.key(1234), 0.5, (NUM_GRAPHS, 1024))
    smask = jnp.where(mask, 2.0, 0.0).astype(jnp.float32)
    batch3 = batch.reshape(N_NODES // _ROW_BLK, 1, _ROW_BLK)
    return _mlp_pool_head(h, p[:N_NODES], p[_NPAD:_NPAD + N_NODES],
                          W2a, b2a, W2b, b2b, batch3, Wl, bl, smask, Wl2, bl2)

# --- scband reference (transcript-rebuilt; emitter-appended) ---
"""Pipeline reference for scband-predictor-47931835023469 (READ-ONLY COPY).

The authoritative reference and input builder live on the scoring server;
editing this copy changes nothing except your own understanding.
"""

import jax, jax.numpy as jnp
import numpy as np

N_NODES = 10000
N_EDGES = 320000
D_IN = 128
DIM = 128
OUT = 1
NUM_GRAPHS = 64
DROP_P = 0.5


def setup_inputs(seed: int = 0) -> dict:
    key = jax.random.key(seed)
    ks = jax.random.split(key, 16)
    x = jax.random.normal(ks[0], (N_NODES, D_IN), dtype=jnp.float32)
    edge_index = jax.random.randint(ks[1], (2, N_EDGES), 0, N_NODES, dtype=jnp.int64 if jax.config.jax_enable_x64 else jnp.int32).astype(jnp.int32)
    batch = jnp.sort(jax.random.randint(ks[2], (N_NODES,), 0, NUM_GRAPHS)).astype(jnp.int32)
    def lin(k, fan_in, fan_out):
        bound = 1.0 / np.sqrt(fan_in)
        kw, kb = jax.random.split(k)
        W = jax.random.uniform(kw, (fan_in, fan_out), minval=-bound, maxval=bound, dtype=jnp.float32)
        b = jax.random.uniform(kb, (fan_out,), minval=-bound, maxval=bound, dtype=jnp.float32)
        return W, b
    W1a, b1a = lin(ks[3], D_IN, DIM)
    W1b, b1b = lin(ks[4], DIM, DIM)
    W2a, b2a = lin(ks[5], DIM, DIM)
    W2b, b2b = lin(ks[6], DIM, DIM)
    Wl, bl = lin(ks[7], DIM, 1024)
    Wl2, bl2 = lin(ks[8], 1024, OUT)
    return {"x": x, "edge_index": edge_index, "batch": batch,
            "W1a": W1a, "b1a": b1a, "W1b": W1b, "b1b": b1b,
            "W2a": W2a, "b2a": b2a, "W2b": W2b, "b2b": b2b,
            "Wl": Wl, "bl": bl, "Wl2": Wl2, "bl2": bl2}


def _gin_conv(x, src, dst, Wa, ba, Wb, bb):
    # GINConv with default eps=0: h = nn((1+eps)*x + sum_{j in N(i)} x_j)
    agg = jnp.zeros_like(x).at[dst].add(x[src])
    h = x + agg
    h = h @ Wa + ba
    h = jax.nn.relu(h)
    h = h @ Wb + bb
    return h


def reference(x, edge_index, batch, W1a, b1a, W1b, b1b, W2a, b2a, W2b, b2b, Wl, bl, Wl2, bl2):
    src = edge_index[0]
    dst = edge_index[1]
    h = _gin_conv(x, src, dst, W1a, b1a, W1b, b1b)
    h = jax.nn.relu(h)
    h = _gin_conv(h, src, dst, W2a, b2a, W2b, b2b)
    h = jax.nn.relu(h)
    # global_add_pool
    g = jax.ops.segment_sum(h, batch, num_segments=NUM_GRAPHS)
    g = g @ Wl + bl
    g = jax.nn.relu(g)
    # F.dropout(p=0.5, training=True) with a fixed key for determinism
    mask = jax.random.bernoulli(jax.random.key(1234), 1.0 - DROP_P, g.shape)
    g = jnp.where(mask, g / (1.0 - DROP_P), 0.0)
    out = g @ Wl2 + bl2
    return out

if __name__ == "__main__":
    import jax
    _d = setup_inputs()
    print(jax.jit(kernel)(*tuple(_d.values())))

</pallas_src>

<mosaic_0001>
#map = affine_map<(d0, d1) -> (0, 0)>
#map1 = affine_map<(d0, d1) -> (0)>
module attributes {stable_mosaic.version = 14 : i64} {
  func.func @body(%arg0: i32, %arg1: i32, %arg2: memref<10000x128xf32, #tpu.memory_space<hbm>>, %arg3: memref<327680xi32, #tpu.memory_space<hbm>>, %arg4: memref<327680xi32, #tpu.memory_space<hbm>>, %arg5: memref<640x128xf32, #tpu.memory_space<hbm>>, %arg6: memref<20480x128xf32, #tpu.memory_space<hbm>>, %arg7: memref<128xi32, #tpu.memory_space<vmem>>, %arg8: memref<128xi32, #tpu.memory_space<vmem>>, %arg9: memref<128xi32, #tpu.memory_space<vmem>>, %arg10: memref<128xi32, #tpu.memory_space<vmem>>, %arg11: memref<128x128xf32, #tpu.memory_space<vmem>>, %arg12: memref<128x128xf32, #tpu.memory_space<vmem>>, %arg13: memref<10240x128xf32, #tpu.memory_space<vmem_shared>>, %arg14: memref<!tpu.dma_semaphore, #tpu.memory_space<semaphore_mem>>, %arg15: memref<!tpu.dma_semaphore, #tpu.memory_space<semaphore_mem>>) attributes {dimension_semantics = [#tpu.dimension_semantics<core_parallel>, #tpu.dimension_semantics<subcore_parallel>], iteration_bounds = array<i64: 2, 16>, scalar_prefetch = 0 : i64, scratch_operands = 9 : i64, tpu.core_type = #tpu.core_type<sc_vector_subcore>, window_params = [{transform_indices = #map}, {transform_indices = #map1}, {transform_indices = #map1}, {transform_indices = #map}, {transform_indices = #map}]} {
    %mul3A = arith.constant 2 : i32
    %mul3A_0 = arith.muli %arg1, %mul3A : i32
    %add3A = arith.addi %mul3A_0, %arg0 : i32
    %mul3A_1 = arith.constant 640 : i32
    %mul3A_2 = arith.muli %arg1, %mul3A_1 : i32
    "tpu.region"() ({
      %run_scoped3A = tpu.sem_alloc : memref<!tpu.dma_semaphore, #tpu.memory_space<semaphore_mem>>
      %dma_start3A_21 = arith.constant 0 : i32
      %dma_start3A_22 = tpu.memref_slice %arg13[%mul3A_2, %dma_start3A_21] : memref<10240x128xf32, #tpu.memory_space<vmem_shared>> -> memref<640x128xf32, #tpu.memory_space<vmem_shared>>
      tpu.enqueue_dma source(%arg5 : memref<640x128xf32, #tpu.memory_space<hbm>>) target(%dma_start3A_22 : memref<640x128xf32, #tpu.memory_space<vmem_shared>>) target_semaphore(%run_scoped3A : memref<!tpu.dma_semaphore, #tpu.memory_space<semaphore_mem>>)
      %dma_wait3A = arith.constant 0 : i32
      %dma_wait3A_23 = tpu.memref_slice %arg13[%mul3A_2, %dma_wait3A] : memref<10240x128xf32, #tpu.memory_space<vmem_shared>> -> memref<640x128xf32, #tpu.memory_space<vmem_shared>>
      tpu.wait_dma2 semaphore(%run_scoped3A : memref<!tpu.dma_semaphore, #tpu.memory_space<semaphore_mem>>) src(%arg5 : memref<640x128xf32, #tpu.memory_space<hbm>>) dst(%dma_wait3A_23 : memref<640x128xf32, #tpu.memory_space<vmem_shared>>)
      tpu.yield
    }) : () -> ()
    %barrier3A = arith.constant 0 : index
    tpu.barrier barrier_id(%barrier3A)
    %mul3A_3 = arith.constant 10240 : i32
    %mul3A_4 = arith.muli %add3A, %mul3A_3 : i32
    %multiple_of3A = tpu.assume_multiple %mul3A_4, 8 : i32
    %add3A_5 = arith.constant 0 : i32
    %add3A_6 = arith.addi %multiple_of3A, %add3A_5 : i32
    %multiple_of3A_7 = tpu.assume_multiple %add3A_6, 8 : i32
    "tpu.region"() ({
      %run_scoped3A = tpu.sem_alloc : memref<!tpu.dma_semaphore, #tpu.memory_space<semaphore_mem>>
      %dma_start3A_21 = tpu.memref_slice %arg3[%multiple_of3A_7] : memref<327680xi32, #tpu.memory_space<hbm>> -> memref<128xi32, #tpu.memory_space<hbm>>
      %dma_start3A_22 = tpu.memref_slice %arg3[%multiple_of3A_7] : memref<327680xi32, #tpu.memory_space<hbm>> -> memref<128xi32, #tpu.memory_space<hbm>>
      tpu.enqueue_dma source(%dma_start3A_22 : memref<128xi32, #tpu.memory_space<hbm>>) target(%arg7 : memref<128xi32, #tpu.memory_space<vmem>>) target_semaphore(%run_scoped3A : memref<!tpu.dma_semaphore, #tpu.memory_space<semaphore_mem>>)
      %dma_wait3A = tpu.memref_slice %arg3[%multiple_of3A_7] : memref<327680xi32, #tpu.memory_space<hbm>> -> memref<128xi32, #tpu.memory_space<hbm>>
      %dma_wait3A_23 = tpu.memref_slice %arg3[%multiple_of3A_7] : memref<327680xi32, #tpu.memory_space<hbm>> -> memref<128xi32, #tpu.memory_space<hbm>>
      tpu.wait_dma2 semaphore(%run_scoped3A : memref<!tpu.dma_semaphore, #tpu.memory_space<semaphore_mem>>) src(%dma_wait3A_23 : memref<128xi32, #tpu.memory_space<hbm>>) dst(%arg7 : memref<128xi32, #tpu.memory_space<vmem>>)
      tpu.yield
    }) : () -> ()
    "tpu.region"() ({
      %run_scoped3A = tpu.sem_alloc : memref<!tpu.dma_semaphore, #tpu.memory_space<semaphore_mem>>
      %dma_start3A_21 = tpu.memref_slice %arg4[%multiple_of3A_7] : memref<327680xi32, #tpu.memory_space<hbm>> -> memref<128xi32, #tpu.memory_space<hbm>>
      %dma_start3A_22 = tpu.memref_slice %arg4[%multiple_of3A_7] : memref<327680xi32, #tpu.memory_space<hbm>> -> memref<128xi32, #tpu.memory_space<hbm>>
      tpu.enqueue_dma source(%dma_start3A_22 : memref<128xi32, #tpu.memory_space<hbm>>) target(%arg8 : memref<128xi32, #tpu.memory_space<vmem>>) target_semaphore(%run_scoped3A : memref<!tpu.dma_semaphore, #tpu.memory_space<semaphore_mem>>)
      %dma_wait3A = tpu.memref_slice %arg4[%multiple_of3A_7] : memref<327680xi32, #tpu.memory_space<hbm>> -> memref<128xi32, #tpu.memory_space<hbm>>
      %dma_wait3A_23 = tpu.memref_slice %arg4[%multiple_of3A_7] : memref<327680xi32, #tpu.memory_space<hbm>> -> memref<128xi32, #tpu.memory_space<hbm>>
      tpu.wait_dma2 semaphore(%run_scoped3A : memref<!tpu.dma_semaphore, #tpu.memory_space<semaphore_mem>>) src(%dma_wait3A_23 : memref<128xi32, #tpu.memory_space<hbm>>) dst(%arg8 : memref<128xi32, #tpu.memory_space<vmem>>)
      tpu.yield
    }) : () -> ()
    %dma_start3A = arith.constant 0 : i32
    %dma_start3A_8 = arith.constant 0 : i32
    %dma_start3A_9 = tpu.memref_slice %arg2[%dma_start3A, %dma_start3A_8] : memref<10000x128xf32, #tpu.memory_space<hbm>> -> memref<10000x128xf32, #tpu.memory_space<hbm>>
    tpu.enqueue_indirect_dma source(%dma_start3A_9 : memref<10000x128xf32, #tpu.memory_space<hbm>>) target(%arg11 : memref<128x128xf32, #tpu.memory_space<vmem>>) offsets(%arg7 : memref<128xi32, #tpu.memory_space<vmem>>) semaphore(%arg14 : memref<!tpu.dma_semaphore, #tpu.memory_space<semaphore_mem>>)
    %scan3A = arith.constant 0 : i32
    %scan3A_10 = arith.constant 0 : i32
    %scan3A_11 = arith.constant 40 : i32
    %scan3A_12 = arith.addi %scan3A_10, %scan3A_11 : i32
    %scan3A_13 = arith.constant 1 : i32
    scf.for %scan3A_21 = %scan3A_10 to %scan3A_12 step %scan3A_13  : i32 {
      %mul3A_22 = arith.constant 2 : i32
      %mul3A_23 = arith.muli %scan3A_21, %mul3A_22 : i32
      %add3A_24 = arith.constant 1 : i32
      %add3A_25 = arith.addi %mul3A_23, %add3A_24 : i32
      %mul3A_26 = arith.constant 128 : i32
      %mul3A_27 = arith.muli %add3A_25, %mul3A_26 : i32
      %add3A_28 = arith.addi %multiple_of3A, %mul3A_27 : i32
      %multiple_of3A_29 = tpu.assume_multiple %add3A_28, 8 : i32
      "tpu.region"() ({
        %run_scoped3A = tpu.sem_alloc : memref<!tpu.dma_semaphore, #tpu.memory_space<semaphore_mem>>
        %dma_start3A_42 = tpu.memref_slice %arg3[%multiple_of3A_29] : memref<327680xi32, #tpu.memory_space<hbm>> -> memref<128xi32, #tpu.memory_space<hbm>>
        %dma_start3A_43 = tpu.memref_slice %arg3[%multiple_of3A_29] : memref<327680xi32, #tpu.memory_space<hbm>> -> memref<128xi32, #tpu.memory_space<hbm>>
        tpu.enqueue_dma source(%dma_start3A_43 : memref<128xi32, #tpu.memory_space<hbm>>) target(%arg9 : memref<128xi32, #tpu.memory_space<vmem>>) target_semaphore(%run_scoped3A : memref<!tpu.dma_semaphore, #tpu.memory_space<semaphore_mem>>)
        %dma_wait3A_44 = tpu.memref_slice %arg3[%multiple_of3A_29] : memref<327680xi32, #tpu.memory_space<hbm>> -> memref<128xi32, #tpu.memory_space<hbm>>
        %dma_wait3A_45 = tpu.memref_slice %arg3[%multiple_of3A_29] : memref<327680xi32, #tpu.memory_space<hbm>> -> memref<128xi32, #tpu.memory_space<hbm>>
        tpu.wait_dma2 semaphore(%run_scoped3A : memref<!tpu.dma_semaphore, #tpu.memory_space<semaphore_mem>>) src(%dma_wait3A_45 : memref<128xi32, #tpu.memory_space<hbm>>) dst(%arg9 : memref<128xi32, #tpu.memory_space<vmem>>)
        tpu.yield
      }) : () -> ()
      "tpu.region"() ({
        %run_scoped3A = tpu.sem_alloc : memref<!tpu.dma_semaphore, #tpu.memory_space<semaphore_mem>>
        %dma_start3A_42 = tpu.memref_slice %arg4[%multiple_of3A_29] : memref<327680xi32, #tpu.memory_space<hbm>> -> memref<128xi32, #tpu.memory_space<hbm>>
        %dma_start3A_43 = tpu.memref_slice %arg4[%multiple_of3A_29] : memref<327680xi32, #tpu.memory_space<hbm>> -> memref<128xi32, #tpu.memory_space<hbm>>
        tpu.enqueue_dma source(%dma_start3A_43 : memref<128xi32, #tpu.memory_space<hbm>>) target(%arg10 : memref<128xi32, #tpu.memory_space<vmem>>) target_semaphore(%run_scoped3A : memref<!tpu.dma_semaphore, #tpu.memory_space<semaphore_mem>>)
        %dma_wait3A_44 = tpu.memref_slice %arg4[%multiple_of3A_29] : memref<327680xi32, #tpu.memory_space<hbm>> -> memref<128xi32, #tpu.memory_space<hbm>>
        %dma_wait3A_45 = tpu.memref_slice %arg4[%multiple_of3A_29] : memref<327680xi32, #tpu.memory_space<hbm>> -> memref<128xi32, #tpu.memory_space<hbm>>
        tpu.wait_dma2 semaphore(%run_scoped3A : memref<!tpu.dma_semaphore, #tpu.memory_space<semaphore_mem>>) src(%dma_wait3A_45 : memref<128xi32, #tpu.memory_space<hbm>>) dst(%arg10 : memref<128xi32, #tpu.memory_space<vmem>>)
        tpu.yield
      }) : () -> ()
      %dma_start3A_30 = arith.constant 0 : i32
      %dma_start3A_31 = arith.constant 0 : i32
      %dma_start3A_32 = tpu.memref_slice %arg2[%dma_start3A_30, %dma_start3A_31] : memref<10000x128xf32, #tpu.memory_space<hbm>> -> memref<10000x128xf32, #tpu.memory_space<hbm>>
      tpu.enqueue_indirect_dma source(%dma_start3A_32 : memref<10000x128xf32, #tpu.memory_space<hbm>>) target(%arg12 : memref<128x128xf32, #tpu.memory_space<vmem>>) offsets(%arg9 : memref<128xi32, #tpu.memory_space<vmem>>) semaphore(%arg15 : memref<!tpu.dma_semaphore, #tpu.memory_space<semaphore_mem>>)
      %dma_wait3A = arith.constant 0 : i32
      %dma_wait3A_33 = arith.constant 0 : i32
      %dma_wait3A_34 = tpu.memref_slice %arg2[%dma_wait3A, %dma_wait3A_33] : memref<10000x128xf32, #tpu.memory_space<hbm>> -> memref<10000x128xf32, #tpu.memory_space<hbm>>
      tpu.wait_indirect_dma semaphore(%arg14 : memref<!tpu.dma_semaphore, #tpu.memory_space<semaphore_mem>>) src(%dma_wait3A_34 : memref<10000x128xf32, #tpu.memory_space<hbm>>) dst(%arg11 : memref<128x128xf32, #tpu.memory_space<vmem>>)
      "tpu.region"() ({
        %run_scoped3A = tpu.sem_alloc : memref<!tpu.dma_semaphore, #tpu.memory_space<semaphore_mem>>
        %dma_start3A_42 = arith.constant 0 : i32
        %dma_start3A_43 = arith.constant 0 : i32
        %dma_start3A_44 = tpu.memref_slice %arg13[%dma_start3A_42, %dma_start3A_43] : memref<10240x128xf32, #tpu.memory_space<vmem_shared>> -> memref<10240x128xf32, #tpu.memory_space<vmem_shared>>
        tpu.enqueue_indirect_dma source(%arg11 : memref<128x128xf32, #tpu.memory_space<vmem>>) target(%dma_start3A_44 : memref<10240x128xf32, #tpu.memory_space<vmem_shared>>) offsets(%arg8 : memref<128xi32, #tpu.memory_space<vmem>>) semaphore(%run_scoped3A : memref<!tpu.dma_semaphore, #tpu.memory_space<semaphore_mem>>) {add = true}
        %dma_wait3A_45 = arith.constant 0 : i32
        %dma_wait3A_46 = arith.constant 0 : i32
        %dma_wait3A_47 = tpu.memref_slice %arg13[%dma_wait3A_45, %dma_wait3A_46] : memref<10240x128xf32, #tpu.memory_space<vmem_shared>> -> memref<10240x128xf32, #tpu.memory_space<vmem_shared>>
        tpu.wait_indirect_dma semaphore(%run_scoped3A : memref<!tpu.dma_semaphore, #tpu.memory_space<semaphore_mem>>) src(%arg11 : memref<128x128xf32, #tpu.memory_space<vmem>>) dst(%dma_wait3A_47 : memref<10240x128xf32, #tpu.memory_space<vmem_shared>>)
        tpu.yield
      }) : () -> ()
      %add3A_35 = arith.constant 1 : i32
      %add3A_36 = arith.addi %scan3A_21, %add3A_35 : i32
      %lt3A = arith.constant 40 : i32
      %lt3A_37 = arith.cmpi slt, %add3A_36, %lt3A : i32
      %convert_element_type3A = arith.extui %lt3A_37 : i1 to i32
      %cond3A = arith.constant 0 : i32
      %cond3A_38 = arith.cmpi ne, %convert_element_type3A, %cond3A : i32
      scf.if %cond3A_38 {
        %add3A_42 = arith.constant 2 : i32
        %add3A_43 = arith.addi %mul3A_23, %add3A_42 : i32
        %mul3A_44 = arith.constant 128 : i32
        %mul3A_45 = arith.muli %add3A_43, %mul3A_44 : i32
        %add3A_46 = arith.addi %multiple_of3A, %mul3A_45 : i32
        %multiple_of3A_47 = tpu.assume_multiple %add3A_46, 8 : i32
        "tpu.region"() ({
          %run_scoped3A = tpu.sem_alloc : memref<!tpu.dma_semaphore, #tpu.memory_space<semaphore_mem>>
          %dma_start3A_51 = tpu.memref_slice %arg3[%multiple_of3A_47] : memref<327680xi32, #tpu.memory_space<hbm>> -> memref<128xi32, #tpu.memory_space<hbm>>
          %dma_start3A_52 = tpu.memref_slice %arg3[%multiple_of3A_47] : memref<327680xi32, #tpu.memory_space<hbm>> -> memref<128xi32, #tpu.memory_space<hbm>>
          tpu.enqueue_dma source(%dma_start3A_52 : memref<128xi32, #tpu.memory_space<hbm>>) target(%arg7 : memref<128xi32, #tpu.memory_space<vmem>>) target_semaphore(%run_scoped3A : memref<!tpu.dma_semaphore, #tpu.memory_space<semaphore_mem>>)
          %dma_wait3A_53 = tpu.memref_slice %arg3[%multiple_of3A_47] : memref<327680xi32, #tpu.memory_space<hbm>> -> memref<128xi32, #tpu.memory_space<hbm>>
          %dma_wait3A_54 = tpu.memref_slice %arg3[%multiple_of3A_47] : memref<327680xi32, #tpu.memory_space<hbm>> -> memref<128xi32, #tpu.memory_space<hbm>>
          tpu.wait_dma2 semaphore(%run_scoped3A : memref<!tpu.dma_semaphore, #tpu.memory_space<semaphore_mem>>) src(%dma_wait3A_54 : memref<128xi32, #tpu.memory_space<hbm>>) dst(%arg7 : memref<128xi32, #tpu.memory_space<vmem>>)
          tpu.yield
        }) : () -> ()
        "tpu.region"() ({
          %run_scoped3A = tpu.sem_alloc : memref<!tpu.dma_semaphore, #tpu.memory_space<semaphore_mem>>
          %dma_start3A_51 = tpu.memref_slice %arg4[%multiple_of3A_47] : memref<327680xi32, #tpu.memory_space<hbm>> -> memref<128xi32, #tpu.memory_space<hbm>>
          %dma_start3A_52 = tpu.memref_slice %arg4[%multiple_of3A_47] : memref<327680xi32, #tpu.memory_space<hbm>> -> memref<128xi32, #tpu.memory_space<hbm>>
          tpu.enqueue_dma source(%dma_start3A_52 : memref<128xi32, #tpu.memory_space<hbm>>) target(%arg8 : memref<128xi32, #tpu.memory_space<vmem>>) target_semaphore(%run_scoped3A : memref<!tpu.dma_semaphore, #tpu.memory_space<semaphore_mem>>)
          %dma_wait3A_53 = tpu.memref_slice %arg4[%multiple_of3A_47] : memref<327680xi32, #tpu.memory_space<hbm>> -> memref<128xi32, #tpu.memory_space<hbm>>
          %dma_wait3A_54 = tpu.memref_slice %arg4[%multiple_of3A_47] : memref<327680xi32, #tpu.memory_space<hbm>> -> memref<128xi32, #tpu.memory_space<hbm>>
          tpu.wait_dma2 semaphore(%run_scoped3A : memref<!tpu.dma_semaphore, #tpu.memory_space<semaphore_mem>>) src(%dma_wait3A_54 : memref<128xi32, #tpu.memory_space<hbm>>) dst(%arg8 : memref<128xi32, #tpu.memory_space<vmem>>)
          tpu.yield
        }) : () -> ()
        %dma_start3A_48 = arith.constant 0 : i32
        %dma_start3A_49 = arith.constant 0 : i32
        %dma_start3A_50 = tpu.memref_slice %arg2[%dma_start3A_48, %dma_start3A_49] : memref<10000x128xf32, #tpu.memory_space<hbm>> -> memref<10000x128xf32, #tpu.memory_space<hbm>>
        tpu.enqueue_indirect_dma source(%dma_start3A_50 : memref<10000x128xf32, #tpu.memory_space<hbm>>) target(%arg11 : memref<128x128xf32, #tpu.memory_space<vmem>>) offsets(%arg7 : memref<128xi32, #tpu.memory_space<vmem>>) semaphore(%arg14 : memref<!tpu.dma_semaphore, #tpu.memory_space<semaphore_mem>>)
      } else {
      }
      %dma_wait3A_39 = arith.constant 0 : i32
      %dma_wait3A_40 = arith.constant 0 : i32
      %dma_wait3A_41 = tpu.memref_slice %arg2[%dma_wait3A_39, %dma_wait3A_40] : memref<10000x128xf32, #tpu.memory_space<hbm>> -> memref<10000x128xf32, #tpu.memory_space<hbm>>
      tpu.wait_indirect_dma semaphore(%arg15 : memref<!tpu.dma_semaphore, #tpu.memory_space<semaphore_mem>>) src(%dma_wait3A_41 : memref<10000x128xf32, #tpu.memory_space<hbm>>) dst(%arg12 : memref<128x128xf32, #tpu.memory_space<vmem>>)
      "tpu.region"() ({
        %run_scoped3A = tpu.sem_alloc : memref<!tpu.dma_semaphore, #tpu.memory_space<semaphore_mem>>
        %dma_start3A_42 = arith.constant 0 : i32
        %dma_start3A_43 = arith.constant 0 : i32
        %dma_start3A_44 = tpu.memref_slice %arg13[%dma_start3A_42, %dma_start3A_43] : memref<10240x128xf32, #tpu.memory_space<vmem_shared>> -> memref<10240x128xf32, #tpu.memory_space<vmem_shared>>
        tpu.enqueue_indirect_dma source(%arg12 : memref<128x128xf32, #tpu.memory_space<vmem>>) target(%dma_start3A_44 : memref<10240x128xf32, #tpu.memory_space<vmem_shared>>) offsets(%arg10 : memref<128xi32, #tpu.memory_space<vmem>>) semaphore(%run_scoped3A : memref<!tpu.dma_semaphore, #tpu.memory_space<semaphore_mem>>) {add = true}
        %dma_wait3A_45 = arith.constant 0 : i32
        %dma_wait3A_46 = arith.constant 0 : i32
        %dma_wait3A_47 = tpu.memref_slice %arg13[%dma_wait3A_45, %dma_wait3A_46] : memref<10240x128xf32, #tpu.memory_space<vmem_shared>> -> memref<10240x128xf32, #tpu.memory_space<vmem_shared>>
        tpu.wait_indirect_dma semaphore(%run_scoped3A : memref<!tpu.dma_semaphore, #tpu.memory_space<semaphore_mem>>) src(%arg12 : memref<128x128xf32, #tpu.memory_space<vmem>>) dst(%dma_wait3A_47 : memref<10240x128xf32, #tpu.memory_space<vmem_shared>>)
        tpu.yield
      }) : () -> ()
    }
    %scan3A_14 = arith.constant 40 : i32
    %barrier3A_15 = arith.constant 0 : index
    tpu.barrier barrier_id(%barrier3A_15)
    %mul3A_16 = arith.constant 640 : i32
    %mul3A_17 = arith.muli %arg1, %mul3A_16 : i32
    %mul3A_18 = arith.constant 10240 : i32
    %mul3A_19 = arith.muli %arg0, %mul3A_18 : i32
    %add3A_20 = arith.addi %mul3A_19, %mul3A_17 : i32
    "tpu.region"() ({
      %run_scoped3A = tpu.sem_alloc : memref<!tpu.dma_semaphore, #tpu.memory_space<semaphore_mem>>
      %dma_start3A_21 = arith.constant 0 : i32
      %dma_start3A_22 = tpu.memref_slice %arg6[%add3A_20, %dma_start3A_21] : memref<20480x128xf32, #tpu.memory_space<hbm>> -> memref<640x128xf32, #tpu.memory_space<hbm>>
      %dma_start3A_23 = arith.constant 0 : i32
      %dma_start3A_24 = tpu.memref_slice %arg13[%mul3A_17, %dma_start3A_23] : memref<10240x128xf32, #tpu.memory_space<vmem_shared>> -> memref<640x128xf32, #tpu.memory_space<vmem_shared>>
      tpu.enqueue_dma source(%dma_start3A_24 : memref<640x128xf32, #tpu.memory_space<vmem_shared>>) target(%dma_start3A_22 : memref<640x128xf32, #tpu.memory_space<hbm>>) target_semaphore(%run_scoped3A : memref<!tpu.dma_semaphore, #tpu.memory_space<semaphore_mem>>)
      %dma_wait3A = arith.constant 0 : i32
      %dma_wait3A_25 = tpu.memref_slice %arg6[%add3A_20, %dma_wait3A] : memref<20480x128xf32, #tpu.memory_space<hbm>> -> memref<640x128xf32, #tpu.memory_space<hbm>>
      %dma_wait3A_26 = arith.constant 0 : i32
      %dma_wait3A_27 = tpu.memref_slice %arg13[%mul3A_17, %dma_wait3A_26] : memref<10240x128xf32, #tpu.memory_space<vmem_shared>> -> memref<640x128xf32, #tpu.memory_space<vmem_shared>>
      tpu.wait_dma2 semaphore(%run_scoped3A : memref<!tpu.dma_semaphore, #tpu.memory_space<semaphore_mem>>) src(%dma_wait3A_27 : memref<640x128xf32, #tpu.memory_space<vmem_shared>>) dst(%dma_wait3A_25 : memref<640x128xf32, #tpu.memory_space<hbm>>)
      tpu.yield
    }) : () -> ()
    return
  }
}

#map = affine_map<(d0, d1) -> (0, 0)>
#map1 = affine_map<(d0, d1) -> (0)>
module attributes {stable_mosaic.version = 14 : i64} {
  func.func @body(%arg0: i32, %arg1: i32, %arg2: memref<10000x128xf32, #tpu.memory_space<hbm>>, %arg3: memref<327680xi32, #tpu.memory_space<hbm>>, %arg4: memref<327680xi32, #tpu.memory_space<hbm>>, %arg5: memref<640x128xf32, #tpu.memory_space<hbm>>, %arg6: memref<20480x128xf32, #tpu.memory_space<hbm>>, %arg7: memref<128xi32, #tpu.memory_space<vmem>>, %arg8: memref<128xi32, #tpu.memory_space<vmem>>, %arg9: memref<128xi32, #tpu.memory_space<vmem>>, %arg10: memref<128xi32, #tpu.memory_space<vmem>>, %arg11: memref<128x128xf32, #tpu.memory_space<vmem>>, %arg12: memref<128x128xf32, #tpu.memory_space<vmem>>, %arg13: memref<10240x128xf32, #tpu.memory_space<vmem_shared>>, %arg14: memref<!tpu.dma_semaphore, #tpu.memory_space<semaphore_mem>>, %arg15: memref<!tpu.dma_semaphore, #tpu.memory_space<semaphore_mem>>) attributes {dimension_semantics = [#tpu.dimension_semantics<core_parallel>, #tpu.dimension_semantics<subcore_parallel>], iteration_bounds = array<i64: 2, 16>, scalar_prefetch = 0 : i64, scratch_operands = 9 : i64, tpu.core_type = #tpu.core_type<sc_vector_subcore>, window_params = [{transform_indices = #map}, {transform_indices = #map1}, {transform_indices = #map1}, {transform_indices = #map}, {transform_indices = #map}]} {
    %mul3A = arith.constant 2 : i32
    %mul3A_0 = arith.muli %arg1, %mul3A : i32
    %add3A = arith.addi %mul3A_0, %arg0 : i32
    %mul3A_1 = arith.constant 640 : i32
    %mul3A_2 = arith.muli %arg1, %mul3A_1 : i32
    "tpu.region"() ({
      %run_scoped3A = tpu.sem_alloc : memref<!tpu.dma_semaphore, #tpu.memory_space<semaphore_mem>>
      %dma_start3A_21 = arith.constant 0 : i32
      %dma_start3A_22 = tpu.memref_slice %arg13[%mul3A_2, %dma_start3A_21] : memref<10240x128xf32, #tpu.memory_space<vmem_shared>> -> memref<640x128xf32, #tpu.memory_space<vmem_shared>>
      tpu.enqueue_dma source(%arg5 : memref<640x128xf32, #tpu.memory_space<hbm>>) target(%dma_start3A_22 : memref<640x128xf32, #tpu.memory_space<vmem_shared>>) target_semaphore(%run_scoped3A : memref<!tpu.dma_semaphore, #tpu.memory_space<semaphore_mem>>)
      %dma_wait3A = arith.constant 0 : i32
      %dma_wait3A_23 = tpu.memref_slice %arg13[%mul3A_2, %dma_wait3A] : memref<10240x128xf32, #tpu.memory_space<vmem_shared>> -> memref<640x128xf32, #tpu.memory_space<vmem_shared>>
      tpu.wait_dma2 semaphore(%run_scoped3A : memref<!tpu.dma_semaphore, #tpu.memory_space<semaphore_mem>>) src(%arg5 : memref<640x128xf32, #tpu.memory_space<hbm>>) dst(%dma_wait3A_23 : memref<640x128xf32, #tpu.memory_space<vmem_shared>>)
      tpu.yield
    }) : () -> ()
    %barrier3A = arith.constant 0 : index
    tpu.barrier barrier_id(%barrier3A)
    %mul3A_3 = arith.constant 10240 : i32
    %mul3A_4 = arith.muli %add3A, %mul3A_3 : i32
    %multiple_of3A = tpu.assume_multiple %mul3A_4, 8 : i32
    %add3A_5 = arith.constant 0 : i32
    %add3A_6 = arith.addi %multiple_of3A, %add3A_5 : i32
    %multiple_of3A_7 = tpu.assume_multiple %add3A_6, 8 : i32
    "tpu.region"() ({
      %run_scoped3A = tpu.sem_alloc : memref<!tpu.dma_semaphore, #tpu.memory_space<semaphore_mem>>
      %dma_start3A_21 = tpu.memref_slice %arg3[%multiple_of3A_7] : memref<327680xi32, #tpu.memory_space<hbm>> -> memref<128xi32, #tpu.memory_space<hbm>>
      %dma_start3A_22 = tpu.memref_slice %arg3[%multiple_of3A_7] : memref<327680xi32, #tpu.memory_space<hbm>> -> memref<128xi32, #tpu.memory_space<hbm>>
      tpu.enqueue_dma source(%dma_start3A_22 : memref<128xi32, #tpu.memory_space<hbm>>) target(%arg7 : memref<128xi32, #tpu.memory_space<vmem>>) target_semaphore(%run_scoped3A : memref<!tpu.dma_semaphore, #tpu.memory_space<semaphore_mem>>)
      %dma_wait3A = tpu.memref_slice %arg3[%multiple_of3A_7] : memref<327680xi32, #tpu.memory_space<hbm>> -> memref<128xi32, #tpu.memory_space<hbm>>
      %dma_wait3A_23 = tpu.memref_slice %arg3[%multiple_of3A_7] : memref<327680xi32, #tpu.memory_space<hbm>> -> memref<128xi32, #tpu.memory_space<hbm>>
      tpu.wait_dma2 semaphore(%run_scoped3A : memref<!tpu.dma_semaphore, #tpu.memory_space<semaphore_mem>>) src(%dma_wait3A_23 : memref<128xi32, #tpu.memory_space<hbm>>) dst(%arg7 : memref<128xi32, #tpu.memory_space<vmem>>)
      tpu.yield
    }) : () -> ()
    "tpu.region"() ({
      %run_scoped3A = tpu.sem_alloc : memref<!tpu.dma_semaphore, #tpu.memory_space<semaphore_mem>>
      %dma_start3A_21 = tpu.memref_slice %arg4[%multiple_of3A_7] : memref<327680xi32, #tpu.memory_space<hbm>> -> memref<128xi32, #tpu.memory_space<hbm>>
      %dma_start3A_22 = tpu.memref_slice %arg4[%multiple_of3A_7] : memref<327680xi32, #tpu.memory_space<hbm>> -> memref<128xi32, #tpu.memory_space<hbm>>
      tpu.enqueue_dma source(%dma_start3A_22 : memref<128xi32, #tpu.memory_space<hbm>>) target(%arg8 : memref<128xi32, #tpu.memory_space<vmem>>) target_semaphore(%run_scoped3A : memref<!tpu.dma_semaphore, #tpu.memory_space<semaphore_mem>>)
      %dma_wait3A = tpu.memref_slice %arg4[%multiple_of3A_7] : memref<327680xi32, #tpu.memory_space<hbm>> -> memref<128xi32, #tpu.memory_space<hbm>>
      %dma_wait3A_23 = tpu.memref_slice %arg4[%multiple_of3A_7] : memref<327680xi32, #tpu.memory_space<hbm>> -> memref<128xi32, #tpu.memory_space<hbm>>
      tpu.wait_dma2 semaphore(%run_scoped3A : memref<!tpu.dma_semaphore, #tpu.memory_space<semaphore_mem>>) src(%dma_wait3A_23 : memref<128xi32, #tpu.memory_space<hbm>>) dst(%arg8 : memref<128xi32, #tpu.memory_space<vmem>>)
      tpu.yield
    }) : () -> ()
    %dma_start3A = arith.constant 0 : i32
    %dma_start3A_8 = arith.constant 0 : i32
    %dma_start3A_9 = tpu.memref_slice %arg2[%dma_start3A, %dma_start3A_8] : memref<10000x128xf32, #tpu.memory_space<hbm>> -> memref<10000x128xf32, #tpu.memory_space<hbm>>
    tpu.enqueue_indirect_dma source(%dma_start3A_9 : memref<10000x128xf32, #tpu.memory_space<hbm>>) target(%arg11 : memref<128x128xf32, #tpu.memory_space<vmem>>) offsets(%arg7 : memref<128xi32, #tpu.memory_space<vmem>>) semaphore(%arg14 : memref<!tpu.dma_semaphore, #tpu.memory_space<semaphore_mem>>)
    %scan3A = arith.constant 0 : i32
    %scan3A_10 = arith.constant 0 : i32
    %scan3A_11 = arith.constant 40 : i32
    %scan3A_12 = arith.addi %scan3A_10, %scan3A_11 : i32
    %scan3A_13 = arith.constant 1 : i32
    scf.for %scan3A_21 = %scan3A_10 to %scan3A_12 step %scan3A_13  : i32 {
      %mul3A_22 = arith.constant 2 : i32
      %mul3A_23 = arith.muli %scan3A_21, %mul3A_22 : i32
      %add3A_24 = arith.constant 1 : i32
      %add3A_25 = arith.addi %mul3A_23, %add3A_24 : i32
      %mul3A_26 = arith.constant 128 : i32
      %mul3A_27 = arith.muli %add3A_25, %mul3A_26 : i32
      %add3A_28 = arith.addi %multiple_of3A, %mul3A_27 : i32
      %multiple_of3A_29 = tpu.assume_multiple %add3A_28, 8 : i32
      "tpu.region"() ({
        %run_scoped3A = tpu.sem_alloc : memref<!tpu.dma_semaphore, #tpu.memory_space<semaphore_mem>>
        %dma_start3A_42 = tpu.memref_slice %arg3[%multiple_of3A_29] : memref<327680xi32, #tpu.memory_space<hbm>> -> memref<128xi32, #tpu.memory_space<hbm>>
        %dma_start3A_43 = tpu.memref_slice %arg3[%multiple_of3A_29] : memref<327680xi32, #tpu.memory_space<hbm>> -> memref<128xi32, #tpu.memory_space<hbm>>
        tpu.enqueue_dma source(%dma_start3A_43 : memref<128xi32, #tpu.memory_space<hbm>>) target(%arg9 : memref<128xi32, #tpu.memory_space<vmem>>) target_semaphore(%run_scoped3A : memref<!tpu.dma_semaphore, #tpu.memory_space<semaphore_mem>>)
        %dma_wait3A_44 = tpu.memref_slice %arg3[%multiple_of3A_29] : memref<327680xi32, #tpu.memory_space<hbm>> -> memref<128xi32, #tpu.memory_space<hbm>>
        %dma_wait3A_45 = tpu.memref_slice %arg3[%multiple_of3A_29] : memref<327680xi32, #tpu.memory_space<hbm>> -> memref<128xi32, #tpu.memory_space<hbm>>
        tpu.wait_dma2 semaphore(%run_scoped3A : memref<!tpu.dma_semaphore, #tpu.memory_space<semaphore_mem>>) src(%dma_wait3A_45 : memref<128xi32, #tpu.memory_space<hbm>>) dst(%arg9 : memref<128xi32, #tpu.memory_space<vmem>>)
        tpu.yield
      }) : () -> ()
      "tpu.region"() ({
        %run_scoped3A = tpu.sem_alloc : memref<!tpu.dma_semaphore, #tpu.memory_space<semaphore_mem>>
        %dma_start3A_42 = tpu.memref_slice %arg4[%multiple_of3A_29] : memref<327680xi32, #tpu.memory_space<hbm>> -> memref<128xi32, #tpu.memory_space<hbm>>
        %dma_start3A_43 = tpu.memref_slice %arg4[%multiple_of3A_29] : memref<327680xi32, #tpu.memory_space<hbm>> -> memref<128xi32, #tpu.memory_space<hbm>>
        tpu.enqueue_dma source(%dma_start3A_43 : memref<128xi32, #tpu.memory_space<hbm>>) target(%arg10 : memref<128xi32, #tpu.memory_space<vmem>>) target_semaphore(%run_scoped3A : memref<!tpu.dma_semaphore, #tpu.memory_space<semaphore_mem>>)
        %dma_wait3A_44 = tpu.memref_slice %arg4[%multiple_of3A_29] : memref<327680xi32, #tpu.memory_space<hbm>> -> memref<128xi32, #tpu.memory_space<hbm>>
        %dma_wait3A_45 = tpu.memref_slice %arg4[%multiple_of3A_29] : memref<327680xi32, #tpu.memory_space<hbm>> -> memref<128xi32, #tpu.memory_space<hbm>>
        tpu.wait_dma2 semaphore(%run_scoped3A : memref<!tpu.dma_semaphore, #tpu.memory_space<semaphore_mem>>) src(%dma_wait3A_45 : memref<128xi32, #tpu.memory_space<hbm>>) dst(%arg10 : memref<128xi32, #tpu.memory_space<vmem>>)
        tpu.yield
      }) : () -> ()
      %dma_start3A_30 = arith.constant 0 : i32
      %dma_start3A_31 = arith.constant 0 : i32
      %dma_start3A_32 = tpu.memref_slice %arg2[%dma_start3A_30, %dma_start3A_31] : memref<10000x128xf32, #tpu.memory_space<hbm>> -> memref<10000x128xf32, #tpu.memory_space<hbm>>
      tpu.enqueue_indirect_dma source(%dma_start3A_32 : memref<10000x128xf32, #tpu.memory_space<hbm>>) target(%arg12 : memref<128x128xf32, #tpu.memory_space<vmem>>) offsets(%arg9 : memref<128xi32, #tpu.memory_space<vmem>>) semaphore(%arg15 : memref<!tpu.dma_semaphore, #tpu.memory_space<semaphore_mem>>)
      %dma_wait3A = arith.constant 0 : i32
      %dma_wait3A_33 = arith.constant 0 : i32
      %dma_wait3A_34 = tpu.memref_slice %arg2[%dma_wait3A, %dma_wait3A_33] : memref<10000x128xf32, #tpu.memory_space<hbm>> -> memref<10000x128xf32, #tpu.memory_space<hbm>>
      tpu.wait_indirect_dma semaphore(%arg14 : memref<!tpu.dma_semaphore, #tpu.memory_space<semaphore_mem>>) src(%dma_wait3A_34 : memref<10000x128xf32, #tpu.memory_space<hbm>>) dst(%arg11 : memref<128x128xf32, #tpu.memory_space<vmem>>)
      "tpu.region"() ({
        %run_scoped3A = tpu.sem_alloc : memref<!tpu.dma_semaphore, #tpu.memory_space<semaphore_mem>>
        %dma_start3A_42 = arith.constant 0 : i32
        %dma_start3A_43 = arith.constant 0 : i32
        %dma_start3A_44 = tpu.memref_slice %arg13[%dma_start3A_42, %dma_start3A_43] : memref<10240x128xf32, #tpu.memory_space<vmem_shared>> -> memref<10240x128xf32, #tpu.memory_space<vmem_shared>>
        tpu.enqueue_indirect_dma source(%arg11 : memref<128x128xf32, #tpu.memory_space<vmem>>) target(%dma_start3A_44 : memref<10240x128xf32, #tpu.memory_space<vmem_shared>>) offsets(%arg8 : memref<128xi32, #tpu.memory_space<vmem>>) semaphore(%run_scoped3A : memref<!tpu.dma_semaphore, #tpu.memory_space<semaphore_mem>>) {add = true}
        %dma_wait3A_45 = arith.constant 0 : i32
        %dma_wait3A_46 = arith.constant 0 : i32
        %dma_wait3A_47 = tpu.memref_slice %arg13[%dma_wait3A_45, %dma_wait3A_46] : memref<10240x128xf32, #tpu.memory_space<vmem_shared>> -> memref<10240x128xf32, #tpu.memory_space<vmem_shared>>
        tpu.wait_indirect_dma semaphore(%run_scoped3A : memref<!tpu.dma_semaphore, #tpu.memory_space<semaphore_mem>>) src(%arg11 : memref<128x128xf32, #tpu.memory_space<vmem>>) dst(%dma_wait3A_47 : memref<10240x128xf32, #tpu.memory_space<vmem_shared>>)
        tpu.yield
      }) : () -> ()
      %add3A_35 = arith.constant 1 : i32
      %add3A_36 = arith.addi %scan3A_21, %add3A_35 : i32
      %lt3A = arith.constant 40 : i32
      %lt3A_37 = arith.cmpi slt, %add3A_36, %lt3A : i32
      %convert_element_type3A = arith.extui %lt3A_37 : i1 to i32
      %cond3A = arith.constant 0 : i32
      %cond3A_38 = arith.cmpi ne, %convert_element_type3A, %cond3A : i32
      scf.if %cond3A_38 {
        %add3A_42 = arith.constant 2 : i32
        %add3A_43 = arith.addi %mul3A_23, %add3A_42 : i32
        %mul3A_44 = arith.constant 128 : i32
        %mul3A_45 = arith.muli %add3A_43, %mul3A_44 : i32
        %add3A_46 = arith.addi %multiple_of3A, %mul3A_45 : i32
        %multiple_of3A_47 = tpu.assume_multiple %add3A_46, 8 : i32
        "tpu.region"() ({
          %run_scoped3A = tpu.sem_alloc : memref<!tpu.dma_semaphore, #tpu.memory_space<semaphore_mem>>
          %dma_start3A_51 = tpu.memref_slice %arg3[%multiple_of3A_47] : memref<327680xi32, #tpu.memory_space<hbm>> -> memref<128xi32, #tpu.memory_space<hbm>>
          %dma_start3A_52 = tpu.memref_slice %arg3[%multiple_of3A_47] : memref<327680xi32, #tpu.memory_space<hbm>> -> memref<128xi32, #tpu.memory_space<hbm>>
          tpu.enqueue_dma source(%dma_start3A_52 : memref<128xi32, #tpu.memory_space<hbm>>) target(%arg7 : memref<128xi32, #tpu.memory_space<vmem>>) target_semaphore(%run_scoped3A : memref<!tpu.dma_semaphore, #tpu.memory_space<semaphore_mem>>)
          %dma_wait3A_53 = tpu.memref_slice %arg3[%multiple_of3A_47] : memref<327680xi32, #tpu.memory_space<hbm>> -> memref<128xi32, #tpu.memory_space<hbm>>
          %dma_wait3A_54 = tpu.memref_slice %arg3[%multiple_of3A_47] : memref<327680xi32, #tpu.memory_space<hbm>> -> memref<128xi32, #tpu.memory_space<hbm>>
          tpu.wait_dma2 semaphore(%run_scoped3A : memref<!tpu.dma_semaphore, #tpu.memory_space<semaphore_mem>>) src(%dma_wait3A_54 : memref<128xi32, #tpu.memory_space<hbm>>) dst(%arg7 : memref<128xi32, #tpu.memory_space<vmem>>)
          tpu.yield
        }) : () -> ()
        "tpu.region"() ({
          %run_scoped3A = tpu.sem_alloc : memref<!tpu.dma_semaphore, #tpu.memory_space<semaphore_mem>>
          %dma_start3A_51 = tpu.memref_slice %arg4[%multiple_of3A_47] : memref<327680xi32, #tpu.memory_space<hbm>> -> memref<128xi32, #tpu.memory_space<hbm>>
          %dma_start3A_52 = tpu.memref_slice %arg4[%multiple_of3A_47] : memref<327680xi32, #tpu.memory_space<hbm>> -> memref<128xi32, #tpu.memory_space<hbm>>
          tpu.enqueue_dma source(%dma_start3A_52 : memref<128xi32, #tpu.memory_space<hbm>>) target(%arg8 : memref<128xi32, #tpu.memory_space<vmem>>) target_semaphore(%run_scoped3A : memref<!tpu.dma_semaphore, #tpu.memory_space<semaphore_mem>>)
          %dma_wait3A_53 = tpu.memref_slice %arg4[%multiple_of3A_47] : memref<327680xi32, #tpu.memory_space<hbm>> -> memref<128xi32, #tpu.memory_space<hbm>>
          %dma_wait3A_54 = tpu.memref_slice %arg4[%multiple_of3A_47] : memref<327680xi32, #tpu.memory_space<hbm>> -> memref<128xi32, #tpu.memory_space<hbm>>
          tpu.wait_dma2 semaphore(%run_scoped3A : memref<!tpu.dma_semaphore, #tpu.memory_space<semaphore_mem>>) src(%dma_wait3A_54 : memref<128xi32, #tpu.memory_space<hbm>>) dst(%arg8 : memref<128xi32, #tpu.memory_space<vmem>>)
          tpu.yield
        }) : () -> ()
        %dma_start3A_48 = arith.constant 0 : i32
        %dma_start3A_49 = arith.constant 0 : i32
        %dma_start3A_50 = tpu.memref_slice %arg2[%dma_start3A_48, %dma_start3A_49] : memref<10000x128xf32, #tpu.memory_space<hbm>> -> memref<10000x128xf32, #tpu.memory_space<hbm>>
        tpu.enqueue_indirect_dma source(%dma_start3A_50 : memref<10000x128xf32, #tpu.memory_space<hbm>>) target(%arg11 : memref<128x128xf32, #tpu.memory_space<vmem>>) offsets(%arg7 : memref<128xi32, #tpu.memory_space<vmem>>) semaphore(%arg14 : memref<!tpu.dma_semaphore, #tpu.memory_space<semaphore_mem>>)
      } else {
      }
      %dma_wait3A_39 = arith.constant 0 : i32
      %dma_wait3A_40 = arith.constant 0 : i32
      %dma_wait3A_41 = tpu.memref_slice %arg2[%dma_wait3A_39, %dma_wait3A_40] : memref<10000x128xf32, #tpu.memory_space<hbm>> -> memref<10000x128xf32, #tpu.memory_space<hbm>>
      tpu.wait_indirect_dma semaphore(%arg15 : memref<!tpu.dma_semaphore, #tpu.memory_space<semaphore_mem>>) src(%dma_wait3A_41 : memref<10000x128xf32, #tpu.memory_space<hbm>>) dst(%arg12 : memref<128x128xf32, #tpu.memory_space<vmem>>)
      "tpu.region"() ({
        %run_scoped3A = tpu.sem_alloc : memref<!tpu.dma_semaphore, #tpu.memory_space<semaphore_mem>>
        %dma_start3A_42 = arith.constant 0 : i32
        %dma_start3A_43 = arith.constant 0 : i32
        %dma_start3A_44 = tpu.memref_slice %arg13[%dma_start3A_42, %dma_start3A_43] : memref<10240x128xf32, #tpu.memory_space<vmem_shared>> -> memref<10240x128xf32, #tpu.memory_space<vmem_shared>>
        tpu.enqueue_indirect_dma source(%arg12 : memref<128x128xf32, #tpu.memory_space<vmem>>) target(%dma_start3A_44 : memref<10240x128xf32, #tpu.memory_space<vmem_shared>>) offsets(%arg10 : memref<128xi32, #tpu.memory_space<vmem>>) semaphore(%run_scoped3A : memref<!tpu.dma_semaphore, #tpu.memory_space<semaphore_mem>>) {add = true}
        %dma_wait3A_45 = arith.constant 0 : i32
        %dma_wait3A_46 = arith.constant 0 : i32
        %dma_wait3A_47 = tpu.memref_slice %arg13[%dma_wait3A_45, %dma_wait3A_46] : memref<10240x128xf32, #tpu.memory_space<vmem_shared>> -> memref<10240x128xf32, #tpu.memory_space<vmem_shared>>
        tpu.wait_indirect_dma semaphore(%run_scoped3A : memref<!tpu.dma_semaphore, #tpu.memory_space<semaphore_mem>>) src(%arg12 : memref<128x128xf32, #tpu.memory_space<vmem>>) dst(%dma_wait3A_47 : memref<10240x128xf32, #tpu.memory_space<vmem_shared>>)
        tpu.yield
      }) : () -> ()
    }
    %scan3A_14 = arith.constant 40 : i32
    %barrier3A_15 = arith.constant 0 : index
    tpu.barrier barrier_id(%barrier3A_15)
    %mul3A_16 = arith.constant 640 : i32
    %mul3A_17 = arith.muli %arg1, %mul3A_16 : i32
    %mul3A_18 = arith.constant 10240 : i32
    %mul3A_19 = arith.muli %arg0, %mul3A_18 : i32
    %add3A_20 = arith.addi %mul3A_19, %mul3A_17 : i32
    "tpu.region"() ({
      %run_scoped3A = tpu.sem_alloc : memref<!tpu.dma_semaphore, #tpu.memory_space<semaphore_mem>>
      %dma_start3A_21 = arith.constant 0 : i32
      %dma_start3A_22 = tpu.memref_slice %arg6[%add3A_20, %dma_start3A_21] : memref<20480x128xf32, #tpu.memory_space<hbm>> -> memref<640x128xf32, #tpu.memory_space<hbm>>
      %dma_start3A_23 = arith.constant 0 : i32
      %dma_start3A_24 = tpu.memref_slice %arg13[%mul3A_17, %dma_start3A_23] : memref<10240x128xf32, #tpu.memory_space<vmem_shared>> -> memref<640x128xf32, #tpu.memory_space<vmem_shared>>
      tpu.enqueue_dma source(%dma_start3A_24 : memref<640x128xf32, #tpu.memory_space<vmem_shared>>) target(%dma_start3A_22 : memref<640x128xf32, #tpu.memory_space<hbm>>) target_semaphore(%run_scoped3A : memref<!tpu.dma_semaphore, #tpu.memory_space<semaphore_mem>>)
      %dma_wait3A = arith.constant 0 : i32
      %dma_wait3A_25 = tpu.memref_slice %arg6[%add3A_20, %dma_wait3A] : memref<20480x128xf32, #tpu.memory_space<hbm>> -> memref<640x128xf32, #tpu.memory_space<hbm>>
      %dma_wait3A_26 = arith.constant 0 : i32
      %dma_wait3A_27 = tpu.memref_slice %arg13[%mul3A_17, %dma_wait3A_26] : memref<10240x128xf32, #tpu.memory_space<vmem_shared>> -> memref<640x128xf32, #tpu.memory_space<vmem_shared>>
      tpu.wait_dma2 semaphore(%run_scoped3A : memref<!tpu.dma_semaphore, #tpu.memory_space<semaphore_mem>>) src(%dma_wait3A_27 : memref<640x128xf32, #tpu.memory_space<vmem_shared>>) dst(%dma_wait3A_25 : memref<640x128xf32, #tpu.memory_space<hbm>>)
      tpu.yield
    }) : () -> ()
    return
  }
}

module attributes {stable_mosaic.version = 14 : i64} {
  func.func @_mlp_body(%arg0: i32, %arg1: memref<1000x128xf32, #tpu.memory_space<vmem>>, %arg2: memref<1000x128xf32, #tpu.memory_space<vmem>>, %arg3: memref<1000x128xf32, #tpu.memory_space<vmem>>, %arg4: memref<128x128xf32, #tpu.memory_space<vmem>>, %arg5: memref<1x128xf32, #tpu.memory_space<vmem>>, %arg6: memref<128x128xf32, #tpu.memory_space<vmem>>, %arg7: memref<1x128xf32, #tpu.memory_space<vmem>>, %arg8: memref<1000x128xf32, #tpu.memory_space<vmem>>) attributes {dimension_semantics = [#tpu.dimension_semantics<arbitrary>], iteration_bounds = array<i64: 10>, scalar_prefetch = 0 : i64, scratch_operands = 0 : i64, tpu.core_type = #tpu.core_type<tc>, window_params = [{transform_indices = @transform_0, window_bounds = array<i64: 1000, 128>}, {transform_indices = @transform_1, window_bounds = array<i64: 1000, 128>}, {transform_indices = @transform_2, window_bounds = array<i64: 1000, 128>}, {pipeline_mode = #tpu.pipeline_mode<synchronous>, transform_indices = @transform_3, window_bounds = array<i64: 128, 128>}, {pipeline_mode = #tpu.pipeline_mode<synchronous>, transform_indices = @transform_4, window_bounds = array<i64: 1, 128>}, {pipeline_mode = #tpu.pipeline_mode<synchronous>, transform_indices = @transform_5, window_bounds = array<i64: 128, 128>}, {pipeline_mode = #tpu.pipeline_mode<synchronous>, transform_indices = @transform_6, window_bounds = array<i64: 1, 128>}, {transform_indices = @transform_7, window_bounds = array<i64: 1000, 128>}]} {
    %get3A = arith.constant 0 : index
    %get3A_0 = arith.constant 0 : index
    %get3A_1 = vector.load %arg1[%get3A, %get3A_0] : memref<1000x128xf32, #tpu.memory_space<vmem>>, vector<1000x128xf32>
    %get3A_2 = arith.constant 0 : index
    %get3A_3 = arith.constant 0 : index
    %get3A_4 = vector.load %arg2[%get3A_2, %get3A_3] : memref<1000x128xf32, #tpu.memory_space<vmem>>, vector<1000x128xf32>
    %add3A = arith.addf %get3A_1, %get3A_4 : vector<1000x128xf32>
    %get3A_5 = arith.constant 0 : index
    %get3A_6 = arith.constant 0 : index
    %get3A_7 = vector.load %arg3[%get3A_5, %get3A_6] : memref<1000x128xf32, #tpu.memory_space<vmem>>, vector<1000x128xf32>
    %add3A_8 = arith.addf %add3A, %get3A_7 : vector<1000x128xf32>
    %get3A_9 = arith.constant 0 : index
    %get3A_10 = arith.constant 0 : index
    %get3A_11 = vector.load %arg4[%get3A_9, %get3A_10] : memref<128x128xf32, #tpu.memory_space<vmem>>, vector<128x128xf32>
    %dot_general3A = arith.constant dense<0.000000e+00> : vector<1000x128xf32>
    %dot_general3A_12 = tpu.matmul %add3A_8, %get3A_11, %dot_general3A {dimension_numbers = #tpu.dot_dimension_numbers<[1], [0], [0], [1], [0, 0, 1, 1], [], []>, transpose_lhs_hint = false} : vector<1000x128xf32>, vector<128x128xf32>, vector<1000x128xf32> -> vector<1000x128xf32>
    %get3A_13 = arith.constant 0 : index
    %get3A_14 = arith.constant 0 : index
    %get3A_15 = vector.load %arg5[%get3A_13, %get3A_14] : memref<1x128xf32, #tpu.memory_space<vmem>>, vector<1x128xf32>
    %add3A_16 = vector.broadcast %get3A_15 : vector<1x128xf32> to vector<1000x128xf32>
    %add3A_17 = arith.addf %dot_general3A_12, %add3A_16 : vector<1000x128xf32>
    %max3A = arith.constant 0.000000e+00 : f32
    %max3A_18 = vector.broadcast %max3A : f32 to vector<1000x128xf32>
    %max3A_19 = arith.maximumf %add3A_17, %max3A_18 : vector<1000x128xf32>
    %get3A_20 = arith.constant 0 : index
    %get3A_21 = arith.constant 0 : index
    %get3A_22 = vector.load %arg6[%get3A_20, %get3A_21] : memref<128x128xf32, #tpu.memory_space<vmem>>, vector<128x128xf32>
    %dot_general3A_23 = arith.constant dense<0.000000e+00> : vector<1000x128xf32>
    %dot_general3A_24 = tpu.matmul %max3A_19, %get3A_22, %dot_general3A_23 {dimension_numbers = #tpu.dot_dimension_numbers<[1], [0], [0], [1], [0, 0, 1, 1], [], []>, transpose_lhs_hint = false} : vector<1000x128xf32>, vector<128x128xf32>, vector<1000x128xf32> -> vector<1000x128xf32>
    %get3A_25 = arith.constant 0 : index
    %get3A_26 = arith.constant 0 : index
    %get3A_27 = vector.load %arg7[%get3A_25, %get3A_26] : memref<1x128xf32, #tpu.memory_space<vmem>>, vector<1x128xf32>
    %add3A_28 = vector.broadcast %get3A_27 : vector<1x128xf32> to vector<1000x128xf32>
    %add3A_29 = arith.addf %dot_general3A_24, %add3A_28 : vector<1000x128xf32>
    %max3A_30 = arith.constant 0.000000e+00 : f32
    %max3A_31 = vector.broadcast %max3A_30 : f32 to vector<1000x128xf32>
    %max3A_32 = arith.maximumf %add3A_29, %max3A_31 : vector<1000x128xf32>
    %swap3A = arith.constant 0 : index
    %swap3A_33 = arith.constant 0 : index
    %swap3A_34 = vector.load %arg8[%swap3A, %swap3A_33] : memref<1000x128xf32, #tpu.memory_space<vmem>>, vector<1000x128xf32>
    tpu.vector_store %arg8[%swap3A, %swap3A_33], %max3A_32 {strides = array<i32>} : memref<1000x128xf32, #tpu.memory_space<vmem>>, vector<1000x128xf32>,
    return
  }
  func.func @transform_0(%arg0: i32) -> (i32, i32) {
    %c0_i32 = arith.constant 0 : i32
    %c0_i32_0 = arith.constant 0 : i32
    return %arg0, %c0_i32 : i32, i32
  }
  func.func @transform_1(%arg0: i32) -> (i32, i32) {
    %c0_i32 = arith.constant 0 : i32
    %c0_i32_0 = arith.constant 0 : i32
    return %arg0, %c0_i32 : i32, i32
  }
  func.func @transform_2(%arg0: i32) -> (i32, i32) {
    %c0_i32 = arith.constant 0 : i32
    %c0_i32_0 = arith.constant 0 : i32
    return %arg0, %c0_i32 : i32, i32
  }
  func.func @transform_3(%arg0: i32) -> (i32, i32) {
    %c0_i32 = arith.constant 0 : i32
    %c0_i32_0 = arith.constant 0 : i32
    %c0_i32_1 = arith.constant 0 : i32
    return %c0_i32, %c0_i32_0 : i32, i32
  }
  func.func @transform_4(%arg0: i32) -> (i32, i32) {
    %c0_i32 = arith.constant 0 : i32
    %c0_i32_0 = arith.constant 0 : i32
    %c0_i32_1 = arith.constant 0 : i32
    return %c0_i32, %c0_i32_0 : i32, i32
  }
  func.func @transform_5(%arg0: i32) -> (i32, i32) {
    %c0_i32 = arith.constant 0 : i32
    %c0_i32_0 = arith.constant 0 : i32
    %c0_i32_1 = arith.constant 0 : i32
    return %c0_i32, %c0_i32_0 : i32, i32
  }
  func.func @transform_6(%arg0: i32) -> (i32, i32) {
    %c0_i32 = arith.constant 0 : i32
    %c0_i32_0 = arith.constant 0 : i32
    %c0_i32_1 = arith.constant 0 : i32
    return %c0_i32, %c0_i32_0 : i32, i32
  }
  func.func @transform_7(%arg0: i32) -> (i32, i32) {
    %c0_i32 = arith.constant 0 : i32
    %c0_i32_0 = arith.constant 0 : i32
    return %arg0, %c0_i32 : i32, i32
  }
}

module attributes {stable_mosaic.version = 14 : i64} {
  func.func @_mlp_pool_head_body(%arg0: i32, %arg1: memref<1000x128xf32, #tpu.memory_space<vmem>>, %arg2: memref<1000x128xf32, #tpu.memory_space<vmem>>, %arg3: memref<1000x128xf32, #tpu.memory_space<vmem>>, %arg4: memref<128x128xf32, #tpu.memory_space<vmem>>, %arg5: memref<1x128xf32, #tpu.memory_space<vmem>>, %arg6: memref<128x128xf32, #tpu.memory_space<vmem>>, %arg7: memref<1x128xf32, #tpu.memory_space<vmem>>, %arg8: memref<1x1x1000xi32, #tpu.memory_space<vmem>>, %arg9: memref<128x1024xf32, #tpu.memory_space<vmem>>, %arg10: memref<1x1024xf32, #tpu.memory_space<vmem>>, %arg11: memref<64x1024xf32, #tpu.memory_space<vmem>>, %arg12: memref<1024x1xf32, #tpu.memory_space<vmem>>, %arg13: memref<1x1xf32, #tpu.memory_space<vmem>>, %arg14: memref<64x1xf32, #tpu.memory_space<vmem>>, %arg15: memref<64x128xf32, #tpu.memory_space<vmem>>) attributes {dimension_semantics = [#tpu.dimension_semantics<arbitrary>], iteration_bounds = array<i64: 10>, scalar_prefetch = 0 : i64, scratch_operands = 1 : i64, tpu.core_type = #tpu.core_type<tc>, window_params = [{transform_indices = @transform_0, window_bounds = array<i64: 1000, 128>}, {transform_indices = @transform_1, window_bounds = array<i64: 1000, 128>}, {transform_indices = @transform_2, window_bounds = array<i64: 1000, 128>}, {pipeline_mode = #tpu.pipeline_mode<synchronous>, transform_indices = @transform_3, window_bounds = array<i64: 128, 128>}, {pipeline_mode = #tpu.pipeline_mode<synchronous>, transform_indices = @transform_4, window_bounds = array<i64: 1, 128>}, {pipeline_mode = #tpu.pipeline_mode<synchronous>, transform_indices = @transform_5, window_bounds = array<i64: 128, 128>}, {pipeline_mode = #tpu.pipeline_mode<synchronous>, transform_indices = @transform_6, window_bounds = array<i64: 1, 128>}, {transform_indices = @transform_7, window_bounds = array<i64: 1, 1, 1000>}, {pipeline_mode = #tpu.pipeline_mode<synchronous>, transform_indices = @transform_8, window_bounds = array<i64: 128, 1024>}, {pipeline_mode = #tpu.pipeline_mode<synchronous>, transform_indices = @transform_9, window_bounds = array<i64: 1, 1024>}, {pipeline_mode = #tpu.pipeline_mode<synchronous>, transform_indices = @transform_10, window_bounds = array<i64: 64, 1024>}, {pipeline_mode = #tpu.pipeline_mode<synchronous>, transform_indices = @transform_11, window_bounds = array<i64: 1024, 1>}, {pipeline_mode = #tpu.pipeline_mode<synchronous>, transform_indices = @transform_12, window_bounds = array<i64: 1, 1>}, {pipeline_mode = #tpu.pipeline_mode<synchronous>, transform_indices = @transform_13, window_bounds = array<i64: 64, 1>}]} {
    %eq3A = arith.constant 0 : i32
    %eq3A_0 = arith.cmpi eq, %arg0, %eq3A : i32
    %convert_element_type3A = arith.extui %eq3A_0 : i1 to i32
    %cond3A = arith.constant 0 : i32
    %cond3A_1 = arith.cmpi ne, %convert_element_type3A, %cond3A : i32
    scf.if %cond3A_1 {
      %broadcast_in_dim3A = arith.constant 0.000000e+00 : f32
      %broadcast_in_dim3A_57 = vector.broadcast %broadcast_in_dim3A : f32 to vector<64x128xf32>
      %swap3A_58 = arith.constant 0 : index
      %swap3A_59 = arith.constant 0 : index
      %swap3A_60 = vector.load %arg15[%swap3A_58, %swap3A_59] : memref<64x128xf32, #tpu.memory_space<vmem>>, vector<64x128xf32>
      tpu.vector_store %arg15[%swap3A_58, %swap3A_59], %broadcast_in_dim3A_57 {strides = array<i32>} : memref<64x128xf32, #tpu.memory_space<vmem>>, vector<64x128xf32>,
    } else {
    }
    %get3A = arith.constant 0 : index
    %get3A_2 = arith.constant 0 : index
    %get3A_3 = vector.load %arg1[%get3A, %get3A_2] : memref<1000x128xf32, #tpu.memory_space<vmem>>, vector<1000x128xf32>
    %get3A_4 = arith.constant 0 : index
    %get3A_5 = arith.constant 0 : index
    %get3A_6 = vector.load %arg2[%get3A_4, %get3A_5] : memref<1000x128xf32, #tpu.memory_space<vmem>>, vector<1000x128xf32>
    %add3A = arith.addf %get3A_3, %get3A_6 : vector<1000x128xf32>
    %get3A_7 = arith.constant 0 : index
    %get3A_8 = arith.constant 0 : index
    %get3A_9 = vector.load %arg3[%get3A_7, %get3A_8] : memref<1000x128xf32, #tpu.memory_space<vmem>>, vector<1000x128xf32>
    %add3A_10 = arith.addf %add3A, %get3A_9 : vector<1000x128xf32>
    %get3A_11 = arith.constant 0 : index
    %get3A_12 = arith.constant 0 : index
    %get3A_13 = vector.load %arg4[%get3A_11, %get3A_12] : memref<128x128xf32, #tpu.memory_space<vmem>>, vector<128x128xf32>
    %dot_general3A = arith.constant dense<0.000000e+00> : vector<1000x128xf32>
    %dot_general3A_14 = tpu.matmul %add3A_10, %get3A_13, %dot_general3A {dimension_numbers = #tpu.dot_dimension_numbers<[1], [0], [0], [1], [0, 0, 1, 1], [], []>, transpose_lhs_hint = false} : vector<1000x128xf32>, vector<128x128xf32>, vector<1000x128xf32> -> vector<1000x128xf32>
    %get3A_15 = arith.constant 0 : index
    %get3A_16 = arith.constant 0 : index
    %get3A_17 = vector.load %arg5[%get3A_15, %get3A_16] : memref<1x128xf32, #tpu.memory_space<vmem>>, vector<1x128xf32>
    %add3A_18 = vector.broadcast %get3A_17 : vector<1x128xf32> to vector<1000x128xf32>
    %add3A_19 = arith.addf %dot_general3A_14, %add3A_18 : vector<1000x128xf32>
    %max3A = arith.constant 0.000000e+00 : f32
    %max3A_20 = vector.broadcast %max3A : f32 to vector<1000x128xf32>
    %max3A_21 = arith.maximumf %add3A_19, %max3A_20 : vector<1000x128xf32>
    %get3A_22 = arith.constant 0 : index
    %get3A_23 = arith.constant 0 : index
    %get3A_24 = vector.load %arg6[%get3A_22, %get3A_23] : memref<128x128xf32, #tpu.memory_space<vmem>>, vector<128x128xf32>
    %dot_general3A_25 = arith.constant dense<0.000000e+00> : vector<1000x128xf32>
    %dot_general3A_26 = tpu.matmul %max3A_21, %get3A_24, %dot_general3A_25 {dimension_numbers = #tpu.dot_dimension_numbers<[1], [0], [0], [1], [0, 0, 1, 1], [], []>, transpose_lhs_hint = false} : vector<1000x128xf32>, vector<128x128xf32>, vector<1000x128xf32> -> vector<1000x128xf32>
    %get3A_27 = arith.constant 0 : index
    %get3A_28 = arith.constant 0 : index
    %get3A_29 = vector.load %arg7[%get3A_27, %get3A_28] : memref<1x128xf32, #tpu.memory_space<vmem>>, vector<1x128xf32>
    %add3A_30 = vector.broadcast %get3A_29 : vector<1x128xf32> to vector<1000x128xf32>
    %add3A_31 = arith.addf %dot_general3A_26, %add3A_30 : vector<1000x128xf32>
    %max3A_32 = arith.constant 0.000000e+00 : f32
    %max3A_33 = vector.broadcast %max3A_32 : f32 to vector<1000x128xf32>
    %max3A_34 = arith.maximumf %add3A_31, %max3A_33 : vector<1000x128xf32>
    %get3A_35 = arith.constant 0 : index
    %get3A_36 = arith.constant 0 : index
    %get3A_37 = arith.constant 0 : index
    %get3A_38 = vector.load %arg8[%get3A_35, %get3A_36, %get3A_37] : memref<1x1x1000xi32, #tpu.memory_space<vmem>>, vector<1x1x1000xi32>
    %get3A_39 = vector.shape_cast %get3A_38 : vector<1x1x1000xi32> to vector<1x1000xi32>
    %iota3A = tpu.iota {dimensions = array<i32: 0>} : vector<64x1000xi32>
    %eq3A_40 = vector.broadcast %get3A_39 : vector<1x1000xi32> to vector<64x1000xi32>
    %eq3A_41 = arith.cmpi eq, %eq3A_40, %iota3A : vector<64x1000xi32>
    %convert_element_type3A_42 = arith.extui %eq3A_41 : vector<64x1000xi1> to vector<64x1000xi32>
    %convert_element_type3A_43 = arith.sitofp %convert_element_type3A_42 : vector<64x1000xi32> to vector<64x1000xf32>
    %get3A_44 = arith.constant 0 : index
    %get3A_45 = arith.constant 0 : index
    %get3A_46 = vector.load %arg15[%get3A_44, %get3A_45] : memref<64x128xf32, #tpu.memory_space<vmem>>, vector<64x128xf32>
    %dot_general3A_47 = arith.constant dense<0.000000e+00> : vector<64x128xf32>
    %dot_general3A_48 = tpu.matmul %convert_element_type3A_43, %max3A_34, %dot_general3A_47 {dimension_numbers = #tpu.dot_dimension_numbers<[1], [0], [0], [1], [0, 0, 1, 1], [], []>, transpose_lhs_hint = false} : vector<64x1000xf32>, vector<1000x128xf32>, vector<64x128xf32> -> vector<64x128xf32>
    %add3A_49 = arith.addf %get3A_46, %dot_general3A_48 : vector<64x128xf32>
    %swap3A = arith.constant 0 : index
    %swap3A_50 = arith.constant 0 : index
    %swap3A_51 = vector.load %arg15[%swap3A, %swap3A_50] : memref<64x128xf32, #tpu.memory_space<vmem>>, vector<64x128xf32>
    tpu.vector_store %arg15[%swap3A, %swap3A_50], %add3A_49 {strides = array<i32>} : memref<64x128xf32, #tpu.memory_space<vmem>>, vector<64x128xf32>,
    %eq3A_52 = arith.constant 9 : i32
    %eq3A_53 = arith.cmpi eq, %arg0, %eq3A_52 : i32
    %convert_element_type3A_54 = arith.extui %eq3A_53 : i1 to i32
    %cond3A_55 = arith.constant 0 : i32
    %cond3A_56 = arith.cmpi ne, %convert_element_type3A_54, %cond3A_55 : i32
    scf.if %cond3A_56 {
      %get3A_57 = arith.constant 0 : index
      %get3A_58 = arith.constant 0 : index
      %get3A_59 = vector.load %arg15[%get3A_57, %get3A_58] : memref<64x128xf32, #tpu.memory_space<vmem>>, vector<64x128xf32>
      %get3A_60 = arith.constant 0 : index
      %get3A_61 = arith.constant 0 : index
      %get3A_62 = vector.load %arg9[%get3A_60, %get3A_61] : memref<128x1024xf32, #tpu.memory_space<vmem>>, vector<128x1024xf32>
      %dot_general3A_63 = arith.constant dense<0.000000e+00> : vector<64x1024xf32>
      %dot_general3A_64 = tpu.matmul %get3A_59, %get3A_62, %dot_general3A_63 {dimension_numbers = #tpu.dot_dimension_numbers<[1], [0], [0], [1], [0, 0, 1, 1], [], []>, transpose_lhs_hint = false} : vector<64x128xf32>, vector<128x1024xf32>, vector<64x1024xf32> -> vector<64x1024xf32>
      %get3A_65 = arith.constant 0 : index
      %get3A_66 = arith.constant 0 : index
      %get3A_67 = vector.load %arg10[%get3A_65, %get3A_66] : memref<1x1024xf32, #tpu.memory_space<vmem>>, vector<1x1024xf32>
      %add3A_68 = vector.broadcast %get3A_67 : vector<1x1024xf32> to vector<64x1024xf32>
      %add3A_69 = arith.addf %dot_general3A_64, %add3A_68 : vector<64x1024xf32>
      %max3A_70 = arith.constant 0.000000e+00 : f32
      %max3A_71 = vector.broadcast %max3A_70 : f32 to vector<64x1024xf32>
      %max3A_72 = arith.maximumf %add3A_69, %max3A_71 : vector<64x1024xf32>
      %get3A_73 = arith.constant 0 : index
      %get3A_74 = arith.constant 0 : index
      %get3A_75 = vector.load %arg11[%get3A_73, %get3A_74] : memref<64x1024xf32, #tpu.memory_space<vmem>>, vector<64x1024xf32>
      %mul3A = arith.mulf %max3A_72, %get3A_75 : vector<64x1024xf32>
      %get3A_76 = arith.constant 0 : index
      %get3A_77 = arith.constant 0 : index
      %get3A_78 = vector.load %arg12[%get3A_76, %get3A_77] : memref<1024x1xf32, #tpu.memory_space<vmem>>, vector<1024x1xf32>
      %dot_general3A_79 = arith.constant dense<0.000000e+00> : vector<64x1xf32>
      %dot_general3A_80 = tpu.matmul %mul3A, %get3A_78, %dot_general3A_79 {dimension_numbers = #tpu.dot_dimension_numbers<[1], [0], [0], [1], [0, 0, 1, 1], [], []>, transpose_lhs_hint = false} : vector<64x1024xf32>, vector<1024x1xf32>, vector<64x1xf32> -> vector<64x1xf32>
      %get3A_81 = arith.constant 0 : index
      %get3A_82 = arith.constant 0 : index
      %get3A_83 = vector.load %arg13[%get3A_81, %get3A_82] : memref<1x1xf32, #tpu.memory_space<vmem>>, vector<1x1xf32>
      %add3A_84 = vector.broadcast %get3A_83 : vector<1x1xf32> to vector<64x1xf32>
      %add3A_85 = arith.addf %dot_general3A_80, %add3A_84 : vector<64x1xf32>
      %swap3A_86 = arith.constant 0 : index
      %swap3A_87 = arith.constant 0 : index
      %swap3A_88 = vector.load %arg14[%swap3A_86, %swap3A_87] : memref<64x1xf32, #tpu.memory_space<vmem>>, vector<64x1xf32>
      tpu.vector_store %arg14[%swap3A_86, %swap3A_87], %add3A_85 {strides = array<i32>} : memref<64x1xf32, #tpu.memory_space<vmem>>, vector<64x1xf32>,
    } else {
    }
    return
  }
  func.func @transform_0(%arg0: i32) -> (i32, i32) {
    %c0_i32 = arith.constant 0 : i32
    %c0_i32_0 = arith.constant 0 : i32
    return %arg0, %c0_i32 : i32, i32
  }
  func.func @transform_1(%arg0: i32) -> (i32, i32) {
    %c0_i32 = arith.constant 0 : i32
    %c0_i32_0 = arith.constant 0 : i32
    return %arg0, %c0_i32 : i32, i32
  }
  func.func @transform_2(%arg0: i32) -> (i32, i32) {
    %c0_i32 = arith.constant 0 : i32
    %c0_i32_0 = arith.constant 0 : i32
    return %arg0, %c0_i32 : i32, i32
  }
  func.func @transform_3(%arg0: i32) -> (i32, i32) {
    %c0_i32 = arith.constant 0 : i32
    %c0_i32_0 = arith.constant 0 : i32
    %c0_i32_1 = arith.constant 0 : i32
    return %c0_i32, %c0_i32_0 : i32, i32
  }
  func.func @transform_4(%arg0: i32) -> (i32, i32) {
    %c0_i32 = arith.constant 0 : i32
    %c0_i32_0 = arith.constant 0 : i32
    %c0_i32_1 = arith.constant 0 : i32
    return %c0_i32, %c0_i32_0 : i32, i32
  }
  func.func @transform_5(%arg0: i32) -> (i32, i32) {
    %c0_i32 = arith.constant 0 : i32
    %c0_i32_0 = arith.constant 0 : i32
    %c0_i32_1 = arith.constant 0 : i32
    return %c0_i32, %c0_i32_0 : i32, i32
  }
  func.func @transform_6(%arg0: i32) -> (i32, i32) {
    %c0_i32 = arith.constant 0 : i32
    %c0_i32_0 = arith.constant 0 : i32
    %c0_i32_1 = arith.constant 0 : i32
    return %c0_i32, %c0_i32_0 : i32, i32
  }
  func.func @transform_7(%arg0: i32) -> (i32, i32, i32) {
    %c0_i32 = arith.constant 0 : i32
    %c0_i32_0 = arith.constant 0 : i32
    %c0_i32_1 = arith.constant 0 : i32
    return %arg0, %c0_i32, %c0_i32_0 : i32, i32, i32
  }
  func.func @transform_8(%arg0: i32) -> (i32, i32) {
    %c0_i32 = arith.constant 0 : i32
    %c0_i32_0 = arith.constant 0 : i32
    %c0_i32_1 = arith.constant 0 : i32
    return %c0_i32, %c0_i32_0 : i32, i32
  }
  func.func @transform_9(%arg0: i32) -> (i32, i32) {
    %c0_i32 = arith.constant 0 : i32
    %c0_i32_0 = arith.constant 0 : i32
    %c0_i32_1 = arith.constant 0 : i32
    return %c0_i32, %c0_i32_0 : i32, i32
  }
  func.func @transform_10(%arg0: i32) -> (i32, i32) {
    %c0_i32 = arith.constant 0 : i32
    %c0_i32_0 = arith.constant 0 : i32
    %c0_i32_1 = arith.constant 0 : i32
    return %c0_i32, %c0_i32_0 : i32, i32
  }
  func.func @transform_11(%arg0: i32) -> (i32, i32) {
    %c0_i32 = arith.constant 0 : i32
    %c0_i32_0 = arith.constant 0 : i32
    %c0_i32_1 = arith.constant 0 : i32
    return %c0_i32, %c0_i32_0 : i32, i32
  }
  func.func @transform_12(%arg0: i32) -> (i32, i32) {
    %c0_i32 = arith.constant 0 : i32
    %c0_i32_0 = arith.constant 0 : i32
    %c0_i32_1 = arith.constant 0 : i32
    return %c0_i32, %c0_i32_0 : i32, i32
  }
  func.func @transform_13(%arg0: i32) -> (i32, i32) {
    %c0_i32 = arith.constant 0 : i32
    %c0_i32_0 = arith.constant 0 : i32
    %c0_i32_1 = arith.constant 0 : i32
    return %c0_i32, %c0_i32_0 : i32, i32
  }
}

</mosaic_0001>

<sc_bundles>
// kernel: kernel.6.cloned.1.call-start
scs
__scs_entry_jumppad:
0x0: {  	(pc) =	sbr.rel $0x88, $3  }
0x1: {  	(tag) =	ssettag $0x0;
	lr =	simm.s32 $0x1  }
0x2: {  	[smem:$0x3F92] =	sst lr;
	_ =	strace $0xD0000000  }
0x3: {  	_ = 	snop  }
0x4: {  	_ = 	snop  }
0x5: {  	_ = 	snop  }
0x6: {  	_ = 	snop  }
0x7: {  	_ = 	snop  }
__scs_overlays_trampoline_lowered:
0x8: {  	[smem:$0x3FA1] =	sst s0  }
0x9: {  	[smem:$0x3FA2] =	sst s1  }
0xa: {  	[smem:$0x3FA3] =	sst s2  }
0xb: {  	[smem:$0x3FA4] =	sst s3  }
0xc: {  	[smem:$0x3FA5] =	sst s4  }
0xd: {  	[smem:$0x3FA6] =	sst s5  }
0xe: {  	[smem:$0x3FA7] =	sst s6  }
0xf: {  	[smem:$0x3FA8] =	sst s7  }
0x10: {  	[smem:$0x3FA9] =	sst s8  }
0x11: {  	[smem:$0x3FAA] =	sst s9;
	s0 =	simm.s32 @!p0 $0x0  }
0x12: {  	s1 =	sld [smem:$0x3F90];
	s0 =	simm.s32 @p0 $0x1  }
0x13: {  	[smem:$0x3FAB] =	sst s0;
	s0 =	simm.s32 @!p1 $0x0  }
0x14: {  	s2 =	sld [smem:$0x3F8F];
	s0 =	simm.s32 @p1 $0x1  }
0x15: {  	[smem:$0x3FAC] =	sst s0;
	s0 =	simm.s32 @!p2 $0x0  }
0x16: {  	s3 =	sld [smem:$0x3FDB];
	s0 =	simm.s32 @p2 $0x1  }
0x17: {  	s4 =	simm.s32 $0x1BF5;
	[smem:$0x3FAE] =	sst s0  }
0x18: {  	s0 =	sld [smem:$0x3F91];
	_ =	swait.ge [sflag:s4], $0x0  }
0x19: {  	s7 =	sld [smem:$0x3F92]  }
0x1a: {  	s8 =	sadd.s32 $0xFFFFE003, lr  }
0x1b: {  	s9 =	sadd.s32 $0xFFFFFEF7, lr;
	s5 =	simm.s32 $0xFFFFFFFF;
	p2 =	slt.u32 s8, $0xFFFFF086  }
0x1c: {  	p1 =	slt.u32 s9, $0xF7A;
	s5 =	simm.s32 @!p2 $0x0  }
0x1d: {  	s5 =	simm.s32 @p1 $0x1;
	p0 =	seq.s32 s7, s2  }
0x1e: {  	s7 =	smul.u32 @!p0 $0xF7A, s2;
	p2 =	seq.s32 @!p0 s5, $0x0  }
0x1f: {  	s9 =	smul.u32 $0xF7A, s1;
	s8 =	simm.s32 @!p0 $0x1BF5;
	p2 =	por !p2, p0  }
0x20: {  	[sflag:s8] =	ssyncset.s32 @!p0 $0xFFFFF086;
	s6 =	sadd.s32 @!p0 s3, s7;
	s7 =	simm.s32 @!p0 $0x108  }
0x21: {  	s3 =	sadd.s32 s3, s9;
	s6 =	sadd.s32 @!p0 $0x88, s6;
	s7 =	simm.s32 @p2 $0x1082  }
0x22: {  	[simem:s7], [sflag:s8] =	dma.local @!p0 [hbm:s6], $0xF7A  }
0x23: {  	s9 =	sor.u32 $0xD0000000, s2;
	s6 =	simm.s32 $0x108;
	_ =	swait.ge @!p0 [sflag:s8], $0x0  }
0x24: {  	s3 =	sadd.s32 $0x88, s3;
	s6 =	simm.s32 @!p1 $0x1082;
	[sflag:s4] =	ssyncset.s32 $0xFFFFF086  }
0x25: {  	[simem:s6], [sflag:s4] =	dma.local [hbm:s3], $0xF7A  }
0x26: {  	[smem:$0x3F92] =	sst s1;
	(tag) =	ssettag s2;
	_ =	strace s9  }
0x27: {  	s1 =	sld [smem:$0x3FA2]  }
0x28: {  	s2 =	sld [smem:$0x3FA3]  }
0x29: {  	s4 =	sld [smem:$0x3FA5]  }
0x2a: {  	p0 =	seq.s32 s5, $0x0;
	s5 =	sld [smem:$0x3FA6]  }
0x2b: {  	s6 =	sld [smem:$0x3FA7]  }
0x2c: {  	s7 =	sld [smem:$0x3FA8]  }
0x2d: {  	s3 =	simm.s32 $0x108;
	s8 =	sld [smem:$0x3FA9]  }
0x2e: {  	s3 =	simm.s32 @!p0 $0x1082;
	s9 =	sld [smem:$0x3FAA]  }
0x2f: {  	lr =	sadd.s32 s0, s3;
	s0 =	sld [smem:$0x3FA1]  }
0x30: {  	s3 =	sld [smem:$0x3FA4]  }
0x31: {  	[smem:$0x3FAD] =	sst s10  }
0x32: {  	s10 =	sld [smem:$0x3FAB];
	_ =	sdelay $0x3  }
0x33: {  	p0 =	seq.s32 s10, $0x1;
	s10 =	sld [smem:$0x3FAD];
	_ =	sdelay $0x3  }
0x34: {  	[smem:$0x3FAD] =	sst s10  }
0x35: {  	s10 =	sld [smem:$0x3FAC];
	_ =	sdelay $0x3  }
0x36: {  	p1 =	seq.s32 s10, $0x1;
	s10 =	sld [smem:$0x3FAD];
	_ =	sdelay $0x3  }
0x37: {  	[smem:$0x3FAD] =	sst s10  }
0x38: {  	s10 =	sld [smem:$0x3FAE]  }
0x39: {  	_ = 	snop;
	(pc) =	sbr.ind lr, $3  }
0x3a: {  	_ = 	snop  }
0x3b: {  	_ = 	snop  }
0x3c: {  	p2 =	seq.s32 s10, $0x1;
	s10 =	sld [smem:$0x3FAD]  }
0x3d: {  	_ =	shalt  }
0x3e: {  	_ =	shalt  }
0x3f: {  	_ =	shalt  }
0x40: {  	_ =	shalt  }
0x41: {  	_ =	shalt  }
0x42: {  	_ =	shalt  }
0x43: {  	_ =	shalt  }
0x44: {  	_ =	shalt  }
0x45: {  	_ =	shalt  }
0x46: {  	_ =	shalt  }
0x47: {  	_ =	shalt  }
0x48: {  	_ =	shalt  }
0x49: {  	_ =	shalt  }
0x4a: {  	_ =	shalt  }
0x4b: {  	_ =	shalt  }
0x4c: {  	_ =	shalt  }
0x4d: {  	_ =	shalt  }
0x4e: {  	_ =	shalt  }
0x4f: {  	_ =	shalt  }
0x50: {  	_ =	shalt  }
0x51: {  	_ =	shalt  }
0x52: {  	_ =	shalt  }
0x53: {  	_ =	shalt  }
0x54: {  	_ =	shalt  }
0x55: {  	_ =	shalt  }
0x56: {  	_ =	shalt  }
0x57: {  	_ =	shalt  }
0x58: {  	_ =	shalt  }
0x59: {  	_ =	shalt  }
0x5a: {  	_ =	shalt  }
0x5b: {  	_ =	shalt  }
0x5c: {  	_ =	shalt  }
0x5d: {  	_ =	shalt  }
0x5e: {  	_ =	shalt  }
0x5f: {  	_ =	shalt  }
0x60: {  	_ =	shalt  }
0x61: {  	_ =	shalt  }
0x62: {  	_ =	shalt  }
0x63: {  	_ =	shalt  }
0x64: {  	_ =	shalt  }
0x65: {  	_ =	shalt  }
0x66: {  	_ =	shalt  }
0x67: {  	_ =	shalt  }
0x68: {  	_ =	shalt  }
0x69: {  	_ =	shalt  }
0x6a: {  	_ =	shalt  }
0x6b: {  	_ =	shalt  }
0x6c: {  	_ =	shalt  }
0x6d: {  	_ =	shalt  }
0x6e: {  	_ =	shalt  }
0x6f: {  	_ =	shalt  }
0x70: {  	_ =	shalt  }
0x71: {  	_ =	shalt  }
0x72: {  	_ =	shalt  }
0x73: {  	_ =	shalt  }
0x74: {  	_ =	shalt  }
0x75: {  	_ =	shalt  }
0x76: {  	_ =	shalt  }
0x77: {  	_ =	shalt  }
0x78: {  	_ =	shalt  }
0x79: {  	_ =	shalt  }
0x7a: {  	_ =	shalt  }
0x7b: {  	_ =	shalt  }
0x7c: {  	_ =	shalt  }
0x7d: {  	_ =	shalt  }
0x7e: {  	_ =	shalt  }
0x7f: {  	_ =	shalt  }
0x80: {  	_ =	shalt  }
0x81: {  	_ =	shalt  }
0x82: {  	_ =	shalt  }
0x83: {  	_ =	shalt  }
0x84: {  	_ =	shalt  }
0x85: {  	_ =	shalt  }
0x86: {  	_ =	shalt  }
0x87: {  	_ =	shalt  }
.Lfunc_end0:
.L_simem_size_0:
called_computation_lowered:
.L_overlay_start_0:
0x88: {  	s2 =	sld [smem:$0x3FD9]  }
0x89: {  	s3 =	sld [smem:$0x3FFE];
	_ =	sdelay $0x1  }
0x8a: {  	s1 =	srdreg.scid  }
0x8b: {  	s0 =	sand.u32 $0x1, s1  }
0x8c: {  	s17 =	sshll.u32 s0, $0xA;
	s2 =	sadd.s32 s3, s2  }
0x8d: {  	s2 =	sadd.s32 s2, s17  }
0x8e: {  	[smem:$0x3FB9] =	sst s2  }
0x8f: {  	_ = 	snop  }
0x90: {  	s2 =	sld [smem:$0x3FC9];
	(tm) =	ssettm $0x1  }
0x91: {  	s18 =	sld [smem:$0x3FFB];
	_ =	sdelay $0x3  }
0x92: {  	_ =	strace s18  }
0x93: {  	s3 =	sld [smem:$0x3FFC];
	_ =	sdelay $0x3  }
0x94: {  	_ =	strace s3  }
0x95: {  	s3 =	sld [smem:$0x3FFD];
	_ =	sdelay $0x3  }
0x96: {  	_ =	strace s3  }
0x97: {  	_ =	strace $0x8FFFFFFF  }
0x98: {  	s19 =	sld [smem:$0x3FDB];
	_ =	sdelay $0x1  }
0x99: {  	s4 =	simm.s32 $_scs_section_size  }
0x9a: {  	s5 =	simm.s32 $_size__tile_overlayer_lowered;
	s6 =	simm.s32 $_tile_overlayer_lowered  }
0x9b: {  	s22 =	simm.s32 $0x1BFF;
	s21 =	sshll.u32 s6, $0x1;
	s3 =	sadd.s32 s4, s19  }
0x9c: {  	s7 =	simm.s32 $0x0;
	s20 =	sshll.u32 s5, $0x1;
	s5 =	sadd.s32 s21, s3  }
0x9d: {  	[timem:s7], [sflag:s22] =	dma.local [hbm:s5], s20  }
0x9e: {  	_ =	swait.ge [sflag:s22], s20  }
0x9f: {  	s4 =	ssub.s32 $0x0, s20;
	[sflag:s22] =	ssyncset.done $0x0  }
0xa0: {  	[sflag:s22] =	ssyncadd.s32 s4;
	_ =	sdelay $0x1  }
0xa1: {  	s23 =	simm.s32 $0x1B8B  }
0xa2: {  	_ =	swait.ge [sflag:s23], $0x1  }
0xa3: {  	[sflag:s23] =	ssyncset.done $0x0  }
0xa4: {  	s25 =	simm.s32 $0x1B8E;
	s24 =	sld [smem:$0x3FFE];
	[sflag:s23] =	ssyncadd.s32 $0xFFFFFFFF  }
0xa5: {  	s26 =	simm.s32 $execute0_lowered;
	[smem:$0x3FD2] =	sst s25  }
0xa6: {  	s5 =	sshll.u32 s26, $0x1;
	_ =	strace $0x80000046;
	[dreg:$0x1] =	wrdreg $0xFFFFFFFF  }
0xa7: {  	s28 =	simm.s32 $_size_execute0_lowered;
	s3 =	sadd.s32 s3, s5;
	[dreg:$0x0] =	wrdreg $0x0  }
0xa8: {  	s5 =	sshll.u32 s28, $0x1;
	[dreg:$0x2] =	wrdreg s3  }
0xa9: {  	[dreg:$0x3] =	wrdreg s5  }
0xaa: {  	[dreg:$0x4] =	wrdreg $0xC0  }
0xab: {  	_ =	task [dreg:s7], $0x5FFFF  }
0xac: {  	[dreg:$0x1] =	wrdreg $0xFFFFFFFF  }
0xad: {  	[dreg:$0x0] =	wrdreg $0x60  }
0xae: {  	[dreg:$0x2] =	wrdreg s2  }
0xaf: {  	[dreg:$0x3] =	wrdreg s24  }
0xb0: {  	[dreg:$0x4] =	wrdreg $0x82000  }
0xb1: {  	[dreg:$0x5] =	wrdreg $0x9  }
0xb2: {  	_ =	task.clear_ibuf [dreg:s7], $0x6FFFF;
	_ =	strace $0x90000046  }
0xb3: {  	s29 =	simm.s32 $0x9;
	_ =	strace $0x80000048  }
0xb4: {  	_ =	swait.ge [sflag:s29], $0x1  }
0xb5: {  	[sflag:s29] =	ssyncadd.s32 $0xFFFFFFFF  }
0xb6: {  	_ =	strace $0x90000048  }
0xb7: {  	_ =	sfence  }
0xb8: {  	s30 =	sld [smem:$0x0];
	_ =	sdelay $0x2  }
0xb9: {  	s31 =	sshll.u32 s1, $0xD;
	s1 =	sshrl.u32 s1, $0x2  }
0xba: {  	s3 =	sand.u32 $0x4000, s31;
	s1 =	sadd.s32 s1, s30  }
0xbb: {  	s0 =	sor.u32 s3, s0;
	s1 =	sshll.u32 s1, $0x11  }
0xbc: {  	s0 =	sor.u32 s1, s0  }
0xbd: {  	s0 =	sadd.s32 $0x8F2B, s0  }
0xbe: {  	[sflag:s0] =	ssyncadd.remote.s32 $0x1  }
0xbf: {  	_ =	sfence.sel $0xFFFF  }
0xc0: {  	[dreg:$0x0] =	wrdreg $0xFFFFFFFF;
	(pc) =	sbr.abs _section_cstart, $3  }
0xc1: {  	[dreg:$0x1] =	wrdreg $0xFFFFFFFF  }
0xc2: {  	_ =	task.clear_ibuf [dreg:s7], $0x2FFFF;
	_ =	strace $0x9FFFFFFF  }
0xc3: {  	(tm) =	ssettm $0x7FFFFFFF  }
tec
execute0_lowered:
.L_overlay_start_1:
0x0: {  	(tag) =	ssettag $0x1  }
0x1: {  	s1 =	rddreg [dreg:$0x0]  }
0x2: {  	s6 =	rddreg [dreg:$0x1]  }
0x3: {  	s3 =	rddreg [dreg:$0x2];
	s4 =	simm.s32 $0x0;
	s5 =	srdreg.scid  }
0x4: {  	s2 =	stileid.u32;
	s20 =	simm.s32 $0x200;
	s21 =	simm.s32 $0x100  }
0x5: {  	s22 =	simm.s32 $0x180;
	s23 =	simm.s32 $0x4200;
	[smem:$0x7FF] =	sst s4  }
0x6: {  	s7 =	sand.u32 $0x1, s5;
	s8 =	smul.u32 $0x2800, s2;
	s16 =	sadd.s32 $0x3200, s6  }
0x7: {  	s15 =	sadd.s32 $0xD200, s6;
	s5 =	sadd.s32 $0x17200, s6;
	s10 =	smul.u32 $0x50000, s2  }
0x8: {  	s24 =	sshll.u32 s2, $0x1;
	s29 =	smul.u32 $0x5000, s2;
	s30 =	sshll.u32 s2, $0x6  }
0x9: {  	_ =	strace $0x80000047;
	s9 =	smul.u32 $0x28000, s7;
	s25 =	ssub.s32 $0x2, s7  }
0xa: {  	s26 =	sor.u32 s7, s24;
	s14 =	smul.u32 $0x2800, s7;
	s24 =	simm.s32 $0x1  }
0xb: {  	s28 =	sshrl.u32 s25, $0x1;
	s10 =	sshrl.u32 s10, $0x2;
	s8 =	sadd.s32 s8, s9  }
0xc: {  	s12 =	ssub.s32 s25, s28;
	s17 =	sadd.s32 s10, s3;
	s14 =	sadd.s32 s14, s29  }
0xd: {  	s25 =	simm.s32 $0x2;
	s11 =	sadd.s32 s8, s6;
	s8 =	smul.u32 $0x2800, s26  }
0xe: {  	s6 =	sor.u32 $0x1C03, s30;
	s10 =	smax.u32 s12, $0x1;
	s18 =	sor.u32 $0x100, s14  }
0xf: {  	s19 =	sor.u32 $0x80, s14;
	s17 =	sshrl.u32 s17, $0x3;
	s26 =	simm.s32 $0x0  }
0x10: {  	s9 =	sadd.s32 $0x19A00, s11;
	s18 =	sshrl.u32 s18, $0x3;
	s31 =	sshrl.u32 s19, $0x3  }
0x11: {  	s19 =	simm.s32 $0x80;
	s13 =	sshrl.u32 s8, $0x3;
	s14 =	sadd.s32 s18, s16  }
0x12: {  	s7 =	sadd.s32 s16, s13;
	s8 =	sadd.s32 s15, s13;
	s13 =	sadd.s32 $0x4F0, s13  }
0x13: {  	s11 =	sadd.s32 s16, s13;
	s12 =	sadd.s32 s15, s13;
	s13 =	sadd.s32 s18, s15  }
0x14: {  	s15 =	sadd.s32 s31, s15;
	s16 =	sadd.s32 s31, s16;
	s18 =	simm.s32 $0x3  }
.LBB2_1:
0x15: {  	[spmem:s17], [sflag:s6] =	dma.local [hbm:s5], $0x2800  }
0x16: {  	_ =	swait.ge [sflag:s18], $0x2800  }
0x17: {  	[sflag:s18] =	ssyncset.done $0x0  }
0x18: {  	[sflag:s18] =	ssyncadd.s32 $0xFFFFD800  }
0x19: {  	[bflag:$0x0] =	sbarrier.arrive $0xFFFF  }
0x1a: {  	[tilespmem:s4], [sflag:$0x3] =	stream.linear.gather [hbm4b:s7+s4], $0x80, $0x38;
	[tilespmem:$0x1C200] =	vst v63  }
0x1b: {  	_ =	swait.ge [sflag:s18], $0x80  }
0x1c: {  	[sflag:s18] =	ssyncset.done $0x0  }
0x1d: {  	[sflag:s18] =	ssyncadd.s32 $0xFFFFFF80  }
0x1e: {  	[tilespmem:s19], [sflag:$0x3] =	stream.linear.gather [hbm4b:s8+s4], $0x80, $0x38;
	[tilespmem:$0x1C200] =	vst v63  }
0x1f: {  	_ =	swait.ge [sflag:s18], $0x80  }
0x20: {  	[sflag:s18] =	ssyncset.done $0x0  }
0x21: {  	[sflag:s18] =	ssyncadd.s32 $0xFFFFFF80  }
0x22: {  	[tilespmem:s20], [sflag:$0x1] =	stream.indirect.gather [hbm4b:s1+s19], $0x80, s4, s19, $0xb8;
	[tilespmem:$0x1C200] =	vst v63  }
0x23: {  	s28 =	sadd.s32 $0x0, s16  }
0x24: {  	[tilespmem:s21], [sflag:$0x3] =	stream.linear.gather [hbm4b:s28+s4], $0x80, $0x38;
	[tilespmem:$0x1C200] =	vst v63  }
0x25: {  	_ =	swait.ge [sflag:s18], $0x80  }
0x26: {  	[sflag:s18] =	ssyncset.done $0x0  }
0x27: {  	s28 =	sadd.s32 $0x0, s15;
	[sflag:s18] =	ssyncadd.s32 $0xFFFFFF80  }
0x28: {  	[tilespmem:s22], [sflag:$0x3] =	stream.linear.gather [hbm4b:s28+s4], $0x80, $0x38;
	[tilespmem:$0x1C200] =	vst v63  }
0x29: {  	_ =	swait.ge [sflag:s18], $0x80  }
0x2a: {  	[sflag:s18] =	ssyncset.done $0x0  }
0x2b: {  	[sflag:s18] =	ssyncadd.s32 $0xFFFFFF80  }
0x2c: {  	[tilespmem:s23], [sflag:$0x2] =	stream.indirect.gather [hbm4b:s1+s19], $0x80, s21, s19, $0xb8;
	[tilespmem:$0x1C200] =	vst v63  }
0x2d: {  	_ =	swait.ge [sflag:s24], $0x4000  }
0x2e: {  	[sflag:s24] =	ssyncset.done $0x0  }
0x2f: {  	[sflag:s24] =	ssyncadd.s32 $0xFFFFC000  }
0x30: {  	[spmem:s3] =	stream.indirect.scatter.add.f32 [tilespmem:s20], [sflag:$0x3], $0x80, s19, s19, $0xb8;
	[tilespmem:$0x1C200] =	vst v63  }
0x31: {  	_ =	swait.ge [sflag:s18], $0x4000  }
0x32: {  	[sflag:s18] =	ssyncset.done $0x0  }
0x33: {  	s28 =	sadd.s32 $0x0, s14;
	[sflag:s18] =	ssyncadd.s32 $0xFFFFC000  }
0x34: {  	[tilespmem:s4], [sflag:$0x3] =	stream.linear.gather [hbm4b:s28+s4], $0x80, $0x38;
	[tilespmem:$0x1C200] =	vst v63  }
0x35: {  	_ =	swait.ge [sflag:s18], $0x80  }
0x36: {  	[sflag:s18] =	ssyncset.done $0x0  }
0x37: {  	s28 =	sadd.s32 $0x0, s13;
	[sflag:s18] =	ssyncadd.s32 $0xFFFFFF80  }
0x38: {  	[tilespmem:s19], [sflag:$0x3] =	stream.linear.gather [hbm4b:s28+s4], $0x80, $0x38;
	[tilespmem:$0x1C200] =	vst v63  }
0x39: {  	_ =	swait.ge [sflag:s18], $0x80  }
0x3a: {  	[sflag:s18] =	ssyncset.done $0x0  }
0x3b: {  	[sflag:s18] =	ssyncadd.s32 $0xFFFFFF80  }
0x3c: {  	[tilespmem:s20], [sflag:$0x1] =	stream.indirect.gather [hbm4b:s1+s19], $0x80, s4, s19, $0xb8;
	[tilespmem:$0x1C200] =	vst v63  }
0x3d: {  	_ =	swait.ge [sflag:s25], $0x4000  }
0x3e: {  	[sflag:s25] =	ssyncset.done $0x0  }
0x3f: {  	[sflag:s25] =	ssyncadd.s32 $0xFFFFC000  }
0x40: {  	[spmem:s3] =	stream.indirect.scatter.add.f32 [tilespmem:s23], [sflag:$0x3], $0x80, s22, s19, $0xb8;
	[tilespmem:$0x1C200] =	vst v63  }
0x41: {  	_ =	swait.ge [sflag:s18], $0x4000  }
0x42: {  	s30 =	simm.s32 $0x40;
	s28 =	simm.s32 $0x20;
	[sflag:s18] =	ssyncset.done $0x0  }
.LBB2_2:
0x43: {  	s31 =	sadd.s32 s28, s16  }
0x44: {  	[sflag:s18] =	ssyncadd.s32 $0xFFFFC000;
	s0 =	smov.u32 s30;
	s29 =	sadd.s32 $0x20, s30  }
0x45: {  	[tilespmem:s21], [sflag:$0x3] =	stream.linear.gather [hbm4b:s31+s4], $0x80, $0x38;
	[tilespmem:$0x1C200] =	vst v63  }
0x46: {  	p0 =	sne.s32 s30, $0x4C0;
	_ =	swait.ge [sflag:s18], $0x80  }
0x47: {  	[sflag:s18] =	ssyncset.done $0x0  }
0x48: {  	s30 =	sadd.s32 s28, s15;
	[sflag:s18] =	ssyncadd.s32 $0xFFFFFF80  }
0x49: {  	[tilespmem:s22], [sflag:$0x3] =	stream.linear.gather [hbm4b:s30+s4], $0x80, $0x38;
	[tilespmem:$0x1C200] =	vst v63  }
0x4a: {  	_ =	swait.ge [sflag:s18], $0x80  }
0x4b: {  	[sflag:s18] =	ssyncset.done $0x0  }
0x4c: {  	[sflag:s18] =	ssyncadd.s32 $0xFFFFFF80  }
0x4d: {  	[tilespmem:s23], [sflag:$0x2] =	stream.indirect.gather [hbm4b:s1+s19], $0x80, s21, s19, $0xb8;
	[tilespmem:$0x1C200] =	vst v63  }
0x4e: {  	_ =	swait.ge [sflag:s24], $0x4000  }
0x4f: {  	[sflag:s24] =	ssyncset.done $0x0  }
0x50: {  	[sflag:s24] =	ssyncadd.s32 $0xFFFFC000  }
0x51: {  	[spmem:s3] =	stream.indirect.scatter.add.f32 [tilespmem:s20], [sflag:$0x3], $0x80, s19, s19, $0xb8;
	[tilespmem:$0x1C200] =	vst v63  }
0x52: {  	_ =	swait.ge [sflag:s18], $0x4000  }
0x53: {  	[sflag:s18] =	ssyncset.done $0x0  }
0x54: {  	s30 =	sadd.s32 s28, s14;
	[sflag:s18] =	ssyncadd.s32 $0xFFFFC000  }
0x55: {  	[tilespmem:s4], [sflag:$0x3] =	stream.linear.gather [hbm4b:s30+s4], $0x80, $0x38;
	[tilespmem:$0x1C200] =	vst v63  }
0x56: {  	_ =	swait.ge [sflag:s18], $0x80  }
0x57: {  	[sflag:s18] =	ssyncset.done $0x0  }
0x58: {  	s30 =	sadd.s32 s28, s13;
	s28 =	smov.u32 s0;
	[sflag:s18] =	ssyncadd.s32 $0xFFFFFF80  }
0x59: {  	[tilespmem:s19], [sflag:$0x3] =	stream.linear.gather [hbm4b:s30+s4], $0x80, $0x38;
	[tilespmem:$0x1C200] =	vst v63  }
0x5a: {  	_ =	swait.ge [sflag:s18], $0x80  }
0x5b: {  	[sflag:s18] =	ssyncset.done $0x0  }
0x5c: {  	[sflag:s18] =	ssyncadd.s32 $0xFFFFFF80  }
0x5d: {  	[tilespmem:s20], [sflag:$0x1] =	stream.indirect.gather [hbm4b:s1+s19], $0x80, s4, s19, $0xb8;
	[tilespmem:$0x1C200] =	vst v63  }
0x5e: {  	_ =	swait.ge [sflag:s25], $0x4000  }
.Ltmp0:
0x5f: {  	[sflag:s25] =	ssyncset.done $0x0;
	(pc) =	sbr.rel @p0 .LBB2_2-.Ltmp0, $4  }
0x60: {  	[sflag:s25] =	ssyncadd.s32 $0xFFFFC000  }
0x61: {  	[spmem:s3] =	stream.indirect.scatter.add.f32 [tilespmem:s23], [sflag:$0x3], $0x80, s22, s19, $0xb8;
	[tilespmem:$0x1C200] =	vst v63  }
0x62: {  	_ =	swait.ge [sflag:s18], $0x4000  }
0x63: {  	s30 =	smov.u32 s29;
	[sflag:s18] =	ssyncset.done $0x0  }
0x64: {  	s0 =	sadd.s32 s28, s16;
	[sflag:s18] =	ssyncadd.s32 $0xFFFFC000  }
0x65: {  	[tilespmem:s21], [sflag:$0x3] =	stream.linear.gather [hbm4b:s0+s4], $0x80, $0x38;
	[tilespmem:$0x1C200] =	vst v63  }
0x66: {  	_ =	swait.ge [sflag:s18], $0x80  }
0x67: {  	[sflag:s18] =	ssyncset.done $0x0  }
0x68: {  	s29 =	sadd.s32 s28, s15;
	[sflag:s18] =	ssyncadd.s32 $0xFFFFFF80  }
0x69: {  	[tilespmem:s22], [sflag:$0x3] =	stream.linear.gather [hbm4b:s29+s4], $0x80, $0x38;
	[tilespmem:$0x1C200] =	vst v63  }
0x6a: {  	_ =	swait.ge [sflag:s18], $0x80  }
0x6b: {  	[sflag:s18] =	ssyncset.done $0x0  }
0x6c: {  	[sflag:s18] =	ssyncadd.s32 $0xFFFFFF80  }
0x6d: {  	[tilespmem:s23], [sflag:$0x2] =	stream.indirect.gather [hbm4b:s1+s19], $0x80, s21, s19, $0xb8;
	[tilespmem:$0x1C200] =	vst v63  }
0x6e: {  	_ =	swait.ge [sflag:s24], $0x4000  }
0x6f: {  	[sflag:s24] =	ssyncset.done $0x0  }
0x70: {  	[sflag:s24] =	ssyncadd.s32 $0xFFFFC000  }
0x71: {  	[spmem:s3] =	stream.indirect.scatter.add.f32 [tilespmem:s20], [sflag:$0x3], $0x80, s19, s19, $0xb8;
	[tilespmem:$0x1C200] =	vst v63  }
0x72: {  	_ =	swait.ge [sflag:s18], $0x4000  }
0x73: {  	[sflag:s18] =	ssyncset.done $0x0  }
0x74: {  	s30 =	sadd.s32 s28, s14;
	[sflag:s18] =	ssyncadd.s32 $0xFFFFC000  }
0x75: {  	[tilespmem:s4], [sflag:$0x3] =	stream.linear.gather [hbm4b:s30+s4], $0x80, $0x38;
	[tilespmem:$0x1C200] =	vst v63  }
0x76: {  	_ =	swait.ge [sflag:s18], $0x80  }
0x77: {  	[sflag:s18] =	ssyncset.done $0x0  }
0x78: {  	s31 =	sadd.s32 s28, s13;
	[sflag:s18] =	ssyncadd.s32 $0xFFFFFF80  }
0x79: {  	[tilespmem:s19], [sflag:$0x3] =	stream.linear.gather [hbm4b:s31+s4], $0x80, $0x38;
	[tilespmem:$0x1C200] =	vst v63  }
0x7a: {  	_ =	swait.ge [sflag:s18], $0x80  }
0x7b: {  	[sflag:s18] =	ssyncset.done $0x0  }
0x7c: {  	[sflag:s18] =	ssyncadd.s32 $0xFFFFFF80  }
0x7d: {  	[tilespmem:s20], [sflag:$0x1] =	stream.indirect.gather [hbm4b:s1+s19], $0x80, s4, s19, $0xb8;
	[tilespmem:$0x1C200] =	vst v63  }
0x7e: {  	_ =	swait.ge [sflag:s25], $0x4000  }
0x7f: {  	[sflag:s25] =	ssyncset.done $0x0  }
0x80: {  	[sflag:s25] =	ssyncadd.s32 $0xFFFFC000  }
0x81: {  	[spmem:s3] =	stream.indirect.scatter.add.f32 [tilespmem:s23], [sflag:$0x3], $0x80, s22, s19, $0xb8;
	[tilespmem:$0x1C200] =	vst v63  }
0x82: {  	_ =	swait.ge [sflag:s18], $0x4000  }
0x83: {  	[sflag:s18] =	ssyncset.done $0x0  }
0x84: {  	[sflag:s18] =	ssyncadd.s32 $0xFFFFC000  }
0x85: {  	[tilespmem:s21], [sflag:$0x3] =	stream.linear.gather [hbm4b:s11+s4], $0x80, $0x38;
	[tilespmem:$0x1C200] =	vst v63  }
0x86: {  	_ =	swait.ge [sflag:s18], $0x80  }
0x87: {  	[sflag:s18] =	ssyncset.done $0x0  }
0x88: {  	[sflag:s18] =	ssyncadd.s32 $0xFFFFFF80  }
0x89: {  	[tilespmem:s22], [sflag:$0x3] =	stream.linear.gather [hbm4b:s12+s4], $0x80, $0x38;
	[tilespmem:$0x1C200] =	vst v63  }
0x8a: {  	_ =	swait.ge [sflag:s18], $0x80  }
0x8b: {  	[sflag:s18] =	ssyncset.done $0x0  }
0x8c: {  	[sflag:s18] =	ssyncadd.s32 $0xFFFFFF80  }
0x8d: {  	[tilespmem:s23], [sflag:$0x2] =	stream.indirect.gather [hbm4b:s1+s19], $0x80, s21, s19, $0xb8;
	[tilespmem:$0x1C200] =	vst v63  }
0x8e: {  	_ =	swait.ge [sflag:s24], $0x4000  }
0x8f: {  	[sflag:s24] =	ssyncset.done $0x0  }
0x90: {  	[sflag:s24] =	ssyncadd.s32 $0xFFFFC000  }
0x91: {  	[spmem:s3] =	stream.indirect.scatter.add.f32 [tilespmem:s20], [sflag:$0x3], $0x80, s19, s19, $0xb8;
	[tilespmem:$0x1C200] =	vst v63  }
0x92: {  	_ =	swait.ge [sflag:s18], $0x4000  }
0x93: {  	[sflag:s18] =	ssyncset.done $0x0  }
0x94: {  	[sflag:s18] =	ssyncadd.s32 $0xFFFFC000  }
0x95: {  	_ =	swait.ge [sflag:s25], $0x4000  }
0x96: {  	[sflag:s25] =	ssyncset.done $0x0  }
0x97: {  	[sflag:s25] =	ssyncadd.s32 $0xFFFFC000  }
0x98: {  	[spmem:s3] =	stream.indirect.scatter.add.f32 [tilespmem:s23], [sflag:$0x3], $0x80, s22, s19, $0xb8;
	[tilespmem:$0x1C200] =	vst v63  }
0x99: {  	_ =	swait.ge [sflag:s18], $0x4000  }
0x9a: {  	s26 =	sadd.s32 $0x1, s26;
	[sflag:s18] =	ssyncset.done $0x0  }
0x9b: {  	p0 =	sne.s32 s26, s10;
	[sflag:s18] =	ssyncadd.s32 $0xFFFFC000  }
.Ltmp1:
0x9c: {  	[bflag:$0x0] =	sbarrier.arrive $0xFFFF;
	(pc) =	sbr.rel @p0 .LBB2_1-.Ltmp1, $4  }
0x9d: {  	[hbm:s9], [sflag:s6] =	dma.local [spmem:s17], $0x2800  }
0x9e: {  	_ =	swait.ge [sflag:s18], $0x2800  }
0x9f: {  	[sflag:s18] =	ssyncset.done $0x0  }
0xa0: {  	[sflag:s18] =	ssyncadd.s32 $0xFFFFD800  }
0xa1: {  	_ =	sfence.sel $0x180000  }
0xa2: {  	[bflag:$0x0] =	sbarrier.arrive $0xFFFF  }
0xa3: {  	_ =	strace $0x90000047  }
0xa4: {  	[bflag:$0x2] =	sbarrier.arrive $0xFFFF  }
0xa5: {  	p0 =	sne.s32 s2, $0x0;
	s0 =	rddreg [dreg:$0x3]  }
0xa6: {  	s0 =	sadd.s32 @!p0 $0x100000, s0  }
0xa7: {  	[sflag:s0] =	ssyncadd.tile.s32 @!p0 $0x1;
	_ =	shalt  }
.Lfunc_end2:
_tile_overlayer_lowered:
.L_overlay_start_2:
0xa8: {  	(tag) =	ssettag $0x2  }
0xa9: {  	s0 =	rddreg [dreg:$0x0];
	s2 =	stileid.u32  }
0xaa: {  	s1 =	rddreg [dreg:$0x1];
	p0 =	sne.s32 s2, $0x0  }
0xab: {  	s3 =	rddreg [dreg:$0x2];
	[bflag:$0x3] =	sbarrier.arrive $0xFFFF;
	s2 =	simm.s32 @!p0 $0x1C03  }
0xac: {  	[timem:s3], [sflag:s2] =	dma.local @!p0 [hbm:s0], s1  }
0xad: {  	s0 =	simm.s32 @!p0 $0x3  }
0xae: {  	_ =	swait.ge @!p0 [sflag:s0], s1  }
0xaf: {  	s1 =	ssub.s32 @!p0 $0x0, s1;
	[sflag:s0] =	ssyncset.done @!p0 $0x0  }
0xb0: {  	[sflag:s0] =	ssyncadd.s32 @!p0 s1  }
0xb1: {  	[bflag:$0x3] =	sbarrier.arrive $0xFFFF  }
0xb2: {  	_ =	shalt  }

// kernel: kernel.9.cloned.1.call-start
scs
__scs_entry_jumppad:
0x0: {  	(pc) =	sbr.rel $0x88, $3  }
0x1: {  	(tag) =	ssettag $0x0;
	lr =	simm.s32 $0x1  }
0x2: {  	[smem:$0x3F92] =	sst lr;
	_ =	strace $0xD0000000  }
0x3: {  	_ = 	snop  }
0x4: {  	_ = 	snop  }
0x5: {  	_ = 	snop  }
0x6: {  	_ = 	snop  }
0x7: {  	_ = 	snop  }
__scs_overlays_trampoline_lowered:
0x8: {  	[smem:$0x3FA1] =	sst s0  }
0x9: {  	[smem:$0x3FA2] =	sst s1  }
0xa: {  	[smem:$0x3FA3] =	sst s2  }
0xb: {  	[smem:$0x3FA4] =	sst s3  }
0xc: {  	[smem:$0x3FA5] =	sst s4  }
0xd: {  	[smem:$0x3FA6] =	sst s5  }
0xe: {  	[smem:$0x3FA7] =	sst s6  }
0xf: {  	[smem:$0x3FA8] =	sst s7  }
0x10: {  	[smem:$0x3FA9] =	sst s8  }
0x11: {  	[smem:$0x3FAA] =	sst s9;
	s0 =	simm.s32 @!p0 $0x0  }
0x12: {  	s1 =	sld [smem:$0x3F90];
	s0 =	simm.s32 @p0 $0x1  }
0x13: {  	[smem:$0x3FAB] =	sst s0;
	s0 =	simm.s32 @!p1 $0x0  }
0x14: {  	s2 =	sld [smem:$0x3F8F];
	s0 =	simm.s32 @p1 $0x1  }
0x15: {  	[smem:$0x3FAC] =	sst s0;
	s0 =	simm.s32 @!p2 $0x0  }
0x16: {  	s3 =	sld [smem:$0x3FDB];
	s0 =	simm.s32 @p2 $0x1  }
0x17: {  	s4 =	simm.s32 $0x1BF5;
	[smem:$0x3FAE] =	sst s0  }
0x18: {  	s0 =	sld [smem:$0x3F91];
	_ =	swait.ge [sflag:s4], $0x0  }
0x19: {  	s7 =	sld [smem:$0x3F92]  }
0x1a: {  	s8 =	sadd.s32 $0xFFFFE003, lr  }
0x1b: {  	s9 =	sadd.s32 $0xFFFFFEF7, lr;
	s5 =	simm.s32 $0xFFFFFFFF;
	p2 =	slt.u32 s8, $0xFFFFF086  }
0x1c: {  	p1 =	slt.u32 s9, $0xF7A;
	s5 =	simm.s32 @!p2 $0x0  }
0x1d: {  	s5 =	simm.s32 @p1 $0x1;
	p0 =	seq.s32 s7, s2  }
0x1e: {  	s7 =	smul.u32 @!p0 $0xF7A, s2;
	p2 =	seq.s32 @!p0 s5, $0x0  }
0x1f: {  	s9 =	smul.u32 $0xF7A, s1;
	s8 =	simm.s32 @!p0 $0x1BF5;
	p2 =	por !p2, p0  }
0x20: {  	[sflag:s8] =	ssyncset.s32 @!p0 $0xFFFFF086;
	s6 =	sadd.s32 @!p0 s3, s7;
	s7 =	simm.s32 @!p0 $0x108  }
0x21: {  	s3 =	sadd.s32 s3, s9;
	s6 =	sadd.s32 @!p0 $0x88, s6;
	s7 =	simm.s32 @p2 $0x1082  }
0x22: {  	[simem:s7], [sflag:s8] =	dma.local @!p0 [hbm:s6], $0xF7A  }
0x23: {  	s9 =	sor.u32 $0xD0000000, s2;
	s6 =	simm.s32 $0x108;
	_ =	swait.ge @!p0 [sflag:s8], $0x0  }
0x24: {  	s3 =	sadd.s32 $0x88, s3;
	s6 =	simm.s32 @!p1 $0x1082;
	[sflag:s4] =	ssyncset.s32 $0xFFFFF086  }
0x25: {  	[simem:s6], [sflag:s4] =	dma.local [hbm:s3], $0xF7A  }
0x26: {  	[smem:$0x3F92] =	sst s1;
	(tag) =	ssettag s2;
	_ =	strace s9  }
0x27: {  	s1 =	sld [smem:$0x3FA2]  }
0x28: {  	s2 =	sld [smem:$0x3FA3]  }
0x29: {  	s4 =	sld [smem:$0x3FA5]  }
0x2a: {  	p0 =	seq.s32 s5, $0x0;
	s5 =	sld [smem:$0x3FA6]  }
0x2b: {  	s6 =	sld [smem:$0x3FA7]  }
0x2c: {  	s7 =	sld [smem:$0x3FA8]  }
0x2d: {  	s3 =	simm.s32 $0x108;
	s8 =	sld [smem:$0x3FA9]  }
0x2e: {  	s3 =	simm.s32 @!p0 $0x1082;
	s9 =	sld [smem:$0x3FAA]  }
0x2f: {  	lr =	sadd.s32 s0, s3;
	s0 =	sld [smem:$0x3FA1]  }
0x30: {  	s3 =	sld [smem:$0x3FA4]  }
0x31: {  	[smem:$0x3FAD] =	sst s10  }
0x32: {  	s10 =	sld [smem:$0x3FAB];
	_ =	sdelay $0x3  }
0x33: {  	p0 =	seq.s32 s10, $0x1;
	s10 =	sld [smem:$0x3FAD];
	_ =	sdelay $0x3  }
0x34: {  	[smem:$0x3FAD] =	sst s10  }
0x35: {  	s10 =	sld [smem:$0x3FAC];
	_ =	sdelay $0x3  }
0x36: {  	p1 =	seq.s32 s10, $0x1;
	s10 =	sld [smem:$0x3FAD];
	_ =	sdelay $0x3  }
0x37: {  	[smem:$0x3FAD] =	sst s10  }
0x38: {  	s10 =	sld [smem:$0x3FAE]  }
0x39: {  	_ = 	snop;
	(pc) =	sbr.ind lr, $3  }
0x3a: {  	_ = 	snop  }
0x3b: {  	_ = 	snop  }
0x3c: {  	p2 =	seq.s32 s10, $0x1;
	s10 =	sld [smem:$0x3FAD]  }
0x3d: {  	_ =	shalt  }
0x3e: {  	_ =	shalt  }
0x3f: {  	_ =	shalt  }
0x40: {  	_ =	shalt  }
0x41: {  	_ =	shalt  }
0x42: {  	_ =	shalt  }
0x43: {  	_ =	shalt  }
0x44: {  	_ =	shalt  }
0x45: {  	_ =	shalt  }
0x46: {  	_ =	shalt  }
0x47: {  	_ =	shalt  }
0x48: {  	_ =	shalt  }
0x49: {  	_ =	shalt  }
0x4a: {  	_ =	shalt  }
0x4b: {  	_ =	shalt  }
0x4c: {  	_ =	shalt  }
0x4d: {  	_ =	shalt  }
0x4e: {  	_ =	shalt  }
0x4f: {  	_ =	shalt  }
0x50: {  	_ =	shalt  }
0x51: {  	_ =	shalt  }
0x52: {  	_ =	shalt  }
0x53: {  	_ =	shalt  }
0x54: {  	_ =	shalt  }
0x55: {  	_ =	shalt  }
0x56: {  	_ =	shalt  }
0x57: {  	_ =	shalt  }
0x58: {  	_ =	shalt  }
0x59: {  	_ =	shalt  }
0x5a: {  	_ =	shalt  }
0x5b: {  	_ =	shalt  }
0x5c: {  	_ =	shalt  }
0x5d: {  	_ =	shalt  }
0x5e: {  	_ =	shalt  }
0x5f: {  	_ =	shalt  }
0x60: {  	_ =	shalt  }
0x61: {  	_ =	shalt  }
0x62: {  	_ =	shalt  }
0x63: {  	_ =	shalt  }
0x64: {  	_ =	shalt  }
0x65: {  	_ =	shalt  }
0x66: {  	_ =	shalt  }
0x67: {  	_ =	shalt  }
0x68: {  	_ =	shalt  }
0x69: {  	_ =	shalt  }
0x6a: {  	_ =	shalt  }
0x6b: {  	_ =	shalt  }
0x6c: {  	_ =	shalt  }
0x6d: {  	_ =	shalt  }
0x6e: {  	_ =	shalt  }
0x6f: {  	_ =	shalt  }
0x70: {  	_ =	shalt  }
0x71: {  	_ =	shalt  }
0x72: {  	_ =	shalt  }
0x73: {  	_ =	shalt  }
0x74: {  	_ =	shalt  }
0x75: {  	_ =	shalt  }
0x76: {  	_ =	shalt  }
0x77: {  	_ =	shalt  }
0x78: {  	_ =	shalt  }
0x79: {  	_ =	shalt  }
0x7a: {  	_ =	shalt  }
0x7b: {  	_ =	shalt  }
0x7c: {  	_ =	shalt  }
0x7d: {  	_ =	shalt  }
0x7e: {  	_ =	shalt  }
0x7f: {  	_ =	shalt  }
0x80: {  	_ =	shalt  }
0x81: {  	_ =	shalt  }
0x82: {  	_ =	shalt  }
0x83: {  	_ =	shalt  }
0x84: {  	_ =	shalt  }
0x85: {  	_ =	shalt  }
0x86: {  	_ =	shalt  }
0x87: {  	_ =	shalt  }
.Lfunc_end0:
.L_simem_size_0:
called_computation.1_lowered:
.L_overlay_start_0:
0x88: {  	s2 =	sld [smem:$0x3FD9]  }
0x89: {  	s3 =	sld [smem:$0x3FFE];
	_ =	sdelay $0x1  }
0x8a: {  	s1 =	srdreg.scid  }
0x8b: {  	s0 =	sand.u32 $0x1, s1  }
0x8c: {  	s16 =	sshll.u32 s0, $0xA;
	s2 =	sadd.s32 s3, s2  }
0x8d: {  	s2 =	sadd.s32 s2, s16  }
0x8e: {  	[smem:$0x3FB9] =	sst s2  }
0x8f: {  	_ = 	snop  }
0x90: {  	(tm) =	ssettm $0x1  }
0x91: {  	s17 =	sld [smem:$0x3FFB];
	_ =	sdelay $0x3  }
0x92: {  	_ =	strace s17  }
0x93: {  	s2 =	sld [smem:$0x3FFC];
	_ =	sdelay $0x3  }
0x94: {  	_ =	strace s2  }
0x95: {  	s2 =	sld [smem:$0x3FFD];
	_ =	sdelay $0x3  }
0x96: {  	_ =	strace s2  }
0x97: {  	_ =	strace $0x8FFFFFFF  }
0x98: {  	s18 =	sld [smem:$0x3FDB];
	_ =	sdelay $0x1  }
0x99: {  	s19 =	simm.s32 $_scs_section_size  }
0x9a: {  	s4 =	simm.s32 $_size__tile_overlayer_lowered;
	s5 =	simm.s32 $_tile_overlayer_lowered  }
0x9b: {  	s22 =	simm.s32 $0x1BFF;
	s21 =	sshll.u32 s5, $0x1;
	s2 =	sadd.s32 s19, s18  }
0x9c: {  	s6 =	simm.s32 $0x0;
	s20 =	sshll.u32 s4, $0x1;
	s4 =	sadd.s32 s21, s2  }
0x9d: {  	[timem:s6], [sflag:s22] =	dma.local [hbm:s4], s20  }
0x9e: {  	_ =	swait.ge [sflag:s22], s20  }
0x9f: {  	s3 =	ssub.s32 $0x0, s20;
	[sflag:s22] =	ssyncset.done $0x0  }
0xa0: {  	[sflag:s22] =	ssyncadd.s32 s3;
	_ =	sdelay $0x1  }
0xa1: {  	s23 =	simm.s32 $0x1B8B  }
0xa2: {  	_ =	swait.ge [sflag:s23], $0x1  }
0xa3: {  	[sflag:s23] =	ssyncset.done $0x0  }
0xa4: {  	s25 =	simm.s32 $0x1B8E;
	s24 =	sld [smem:$0x3FFE];
	[sflag:s23] =	ssyncadd.s32 $0xFFFFFFFF  }
0xa5: {  	s26 =	simm.s32 $execute0_lowered;
	[smem:$0x3FD2] =	sst s25  }
0xa6: {  	s4 =	sshll.u32 s26, $0x1;
	_ =	strace $0x80000049;
	[dreg:$0x1] =	wrdreg $0xFFFFFFFF  }
0xa7: {  	s28 =	simm.s32 $_size_execute0_lowered;
	s2 =	sadd.s32 s2, s4;
	[dreg:$0x0] =	wrdreg $0x0  }
0xa8: {  	s4 =	sshll.u32 s28, $0x1;
	[dreg:$0x2] =	wrdreg s2  }
0xa9: {  	[dreg:$0x3] =	wrdreg s4  }
0xaa: {  	[dreg:$0x4] =	wrdreg $0xC0  }
0xab: {  	_ =	task [dreg:s6], $0x5FFFF  }
0xac: {  	[dreg:$0x1] =	wrdreg $0xFFFFFFFF  }
0xad: {  	[dreg:$0x0] =	wrdreg $0x60  }
0xae: {  	[dreg:$0x2] =	wrdreg s24  }
0xaf: {  	[dreg:$0x3] =	wrdreg $0x82000  }
0xb0: {  	[dreg:$0x4] =	wrdreg $0x9  }
0xb1: {  	_ =	task.clear_ibuf [dreg:s6], $0x5FFFF;
	_ =	strace $0x90000049  }
0xb2: {  	s29 =	simm.s32 $0x9;
	_ =	strace $0x8000004B  }
0xb3: {  	_ =	swait.ge [sflag:s29], $0x1  }
0xb4: {  	[sflag:s29] =	ssyncadd.s32 $0xFFFFFFFF  }
0xb5: {  	_ =	strace $0x9000004B  }
0xb6: {  	_ =	sfence  }
0xb7: {  	s30 =	sld [smem:$0x0];
	_ =	sdelay $0x2  }
0xb8: {  	s31 =	sshll.u32 s1, $0xD;
	s1 =	sshrl.u32 s1, $0x2  }
0xb9: {  	s3 =	sand.u32 $0x4000, s31;
	s1 =	sadd.s32 s1, s30  }
0xba: {  	s0 =	sor.u32 s3, s0;
	s1 =	sshll.u32 s1, $0x11  }
0xbb: {  	s0 =	sor.u32 s1, s0  }
0xbc: {  	s0 =	sadd.s32 $0x8F2B, s0  }
0xbd: {  	[sflag:s0] =	ssyncadd.remote.s32 $0x1  }
0xbe: {  	_ =	sfence.sel $0xFFFF  }
0xbf: {  	[dreg:$0x0] =	wrdreg $0xFFFFFFFF;
	(pc) =	sbr.abs _section_cstart, $3  }
0xc0: {  	[dreg:$0x1] =	wrdreg $0xFFFFFFFF  }
0xc1: {  	_ =	task.clear_ibuf [dreg:s6], $0x2FFFF;
	_ =	strace $0x9FFFFFFF  }
0xc2: {  	(tm) =	ssettm $0x7FFFFFFF  }
0xc3: {  	_ =	shalt  }
tec
execute0_lowered:
.L_overlay_start_1:
0x0: {  	(tag) =	ssettag $0x1  }
0x1: {  	s6 =	rddreg [dreg:$0x0]  }
0x2: {  	s2 =	rddreg [dreg:$0x1]  }
0x3: {  	s3 =	simm.s32 $0x0;
	s4 =	srdreg.scid;
	s1 =	stileid.u32  }
0x4: {  	s20 =	simm.s32 $0x200;
	s21 =	simm.s32 $0x100;
	s22 =	simm.s32 $0x180  }
0x5: {  	s23 =	simm.s32 $0x4200;
	[smem:$0x7FF] =	sst s3;
	s7 =	sand.u32 $0x1, s4  }
0x6: {  	s8 =	smul.u32 $0x2800, s1;
	s4 =	sadd.s32 $0x19A00, s6;
	s16 =	sadd.s32 $0x3200, s6  }
0x7: {  	s15 =	sadd.s32 $0xD200, s6;
	s5 =	sadd.s32 $0x17200, s6;
	s10 =	smul.u32 $0x50000, s1  }
0x8: {  	s24 =	sshll.u32 s1, $0x1;
	s29 =	smul.u32 $0x5000, s1;
	s30 =	sshll.u32 s1, $0x6  }
0x9: {  	_ =	strace $0x8000004A;
	s9 =	smul.u32 $0x28000, s7;
	s25 =	ssub.s32 $0x2, s7  }
0xa: {  	s26 =	sor.u32 s7, s24;
	s14 =	smul.u32 $0x2800, s7;
	s24 =	simm.s32 $0x1  }
0xb: {  	s28 =	sshrl.u32 s25, $0x1;
	s10 =	sshrl.u32 s10, $0x2;
	s8 =	sadd.s32 s8, s9  }
0xc: {  	s12 =	ssub.s32 s25, s28;
	s17 =	sadd.s32 s10, s2;
	s14 =	sadd.s32 s14, s29  }
0xd: {  	s25 =	simm.s32 $0x2;
	s11 =	sadd.s32 s8, s6;
	s8 =	smul.u32 $0x2800, s26  }
0xe: {  	s6 =	sor.u32 $0x1C03, s30;
	s10 =	smax.u32 s12, $0x1;
	s18 =	sor.u32 $0x100, s14  }
0xf: {  	s19 =	sor.u32 $0x80, s14;
	s17 =	sshrl.u32 s17, $0x3;
	s26 =	simm.s32 $0x0  }
0x10: {  	s9 =	sadd.s32 $0x40C00, s11;
	s18 =	sshrl.u32 s18, $0x3;
	s31 =	sshrl.u32 s19, $0x3  }
0x11: {  	s19 =	simm.s32 $0x80;
	s13 =	sshrl.u32 s8, $0x3;
	s14 =	sadd.s32 s18, s16  }
0x12: {  	s7 =	sadd.s32 s16, s13;
	s8 =	sadd.s32 s15, s13;
	s13 =	sadd.s32 $0x4F0, s13  }
0x13: {  	s11 =	sadd.s32 s16, s13;
	s12 =	sadd.s32 s15, s13;
	s13 =	sadd.s32 s18, s15  }
0x14: {  	s15 =	sadd.s32 s31, s15;
	s16 =	sadd.s32 s31, s16;
	s18 =	simm.s32 $0x3  }
.LBB2_1:
0x15: {  	[spmem:s17], [sflag:s6] =	dma.local [hbm:s5], $0x2800  }
0x16: {  	_ =	swait.ge [sflag:s18], $0x2800  }
0x17: {  	[sflag:s18] =	ssyncset.done $0x0  }
0x18: {  	[sflag:s18] =	ssyncadd.s32 $0xFFFFD800  }
0x19: {  	[bflag:$0x0] =	sbarrier.arrive $0xFFFF  }
0x1a: {  	[tilespmem:s3], [sflag:$0x3] =	stream.linear.gather [hbm4b:s7+s3], $0x80, $0x38;
	[tilespmem:$0x1C200] =	vst v63  }
0x1b: {  	_ =	swait.ge [sflag:s18], $0x80  }
0x1c: {  	[sflag:s18] =	ssyncset.done $0x0  }
0x1d: {  	[sflag:s18] =	ssyncadd.s32 $0xFFFFFF80  }
0x1e: {  	[tilespmem:s19], [sflag:$0x3] =	stream.linear.gather [hbm4b:s8+s3], $0x80, $0x38;
	[tilespmem:$0x1C200] =	vst v63  }
0x1f: {  	_ =	swait.ge [sflag:s18], $0x80  }
0x20: {  	[sflag:s18] =	ssyncset.done $0x0  }
0x21: {  	[sflag:s18] =	ssyncadd.s32 $0xFFFFFF80  }
0x22: {  	[tilespmem:s20], [sflag:$0x1] =	stream.indirect.gather [hbm4b:s4+s19], $0x80, s3, s19, $0xb8;
	[tilespmem:$0x1C200] =	vst v63  }
0x23: {  	s28 =	sadd.s32 $0x0, s16  }
0x24: {  	[tilespmem:s21], [sflag:$0x3] =	stream.linear.gather [hbm4b:s28+s3], $0x80, $0x38;
	[tilespmem:$0x1C200] =	vst v63  }
0x25: {  	_ =	swait.ge [sflag:s18], $0x80  }
0x26: {  	[sflag:s18] =	ssyncset.done $0x0  }
0x27: {  	s28 =	sadd.s32 $0x0, s15;
	[sflag:s18] =	ssyncadd.s32 $0xFFFFFF80  }
0x28: {  	[tilespmem:s22], [sflag:$0x3] =	stream.linear.gather [hbm4b:s28+s3], $0x80, $0x38;
	[tilespmem:$0x1C200] =	vst v63  }
0x29: {  	_ =	swait.ge [sflag:s18], $0x80  }
0x2a: {  	[sflag:s18] =	ssyncset.done $0x0  }
0x2b: {  	[sflag:s18] =	ssyncadd.s32 $0xFFFFFF80  }
0x2c: {  	[tilespmem:s23], [sflag:$0x2] =	stream.indirect.gather [hbm4b:s4+s19], $0x80, s21, s19, $0xb8;
	[tilespmem:$0x1C200] =	vst v63  }
0x2d: {  	_ =	swait.ge [sflag:s24], $0x4000  }
0x2e: {  	[sflag:s24] =	ssyncset.done $0x0  }
0x2f: {  	[sflag:s24] =	ssyncadd.s32 $0xFFFFC000  }
0x30: {  	[spmem:s2] =	stream.indirect.scatter.add.f32 [tilespmem:s20], [sflag:$0x3], $0x80, s19, s19, $0xb8;
	[tilespmem:$0x1C200] =	vst v63  }
0x31: {  	_ =	swait.ge [sflag:s18], $0x4000  }
0x32: {  	[sflag:s18] =	ssyncset.done $0x0  }
0x33: {  	s28 =	sadd.s32 $0x0, s14;
	[sflag:s18] =	ssyncadd.s32 $0xFFFFC000  }
0x34: {  	[tilespmem:s3], [sflag:$0x3] =	stream.linear.gather [hbm4b:s28+s3], $0x80, $0x38;
	[tilespmem:$0x1C200] =	vst v63  }
0x35: {  	_ =	swait.ge [sflag:s18], $0x80  }
0x36: {  	[sflag:s18] =	ssyncset.done $0x0  }
0x37: {  	s28 =	sadd.s32 $0x0, s13;
	[sflag:s18] =	ssyncadd.s32 $0xFFFFFF80  }
0x38: {  	[tilespmem:s19], [sflag:$0x3] =	stream.linear.gather [hbm4b:s28+s3], $0x80, $0x38;
	[tilespmem:$0x1C200] =	vst v63  }
0x39: {  	_ =	swait.ge [sflag:s18], $0x80  }
0x3a: {  	[sflag:s18] =	ssyncset.done $0x0  }
0x3b: {  	[sflag:s18] =	ssyncadd.s32 $0xFFFFFF80  }
0x3c: {  	[tilespmem:s20], [sflag:$0x1] =	stream.indirect.gather [hbm4b:s4+s19], $0x80, s3, s19, $0xb8;
	[tilespmem:$0x1C200] =	vst v63  }
0x3d: {  	_ =	swait.ge [sflag:s25], $0x4000  }
0x3e: {  	[sflag:s25] =	ssyncset.done $0x0  }
0x3f: {  	[sflag:s25] =	ssyncadd.s32 $0xFFFFC000  }
0x40: {  	[spmem:s2] =	stream.indirect.scatter.add.f32 [tilespmem:s23], [sflag:$0x3], $0x80, s22, s19, $0xb8;
	[tilespmem:$0x1C200] =	vst v63  }
0x41: {  	_ =	swait.ge [sflag:s18], $0x4000  }
0x42: {  	s30 =	simm.s32 $0x40;
	s28 =	simm.s32 $0x20;
	[sflag:s18] =	ssyncset.done $0x0  }
.LBB2_2:
0x43: {  	s31 =	sadd.s32 s28, s16  }
0x44: {  	[sflag:s18] =	ssyncadd.s32 $0xFFFFC000;
	s0 =	smov.u32 s30;
	s29 =	sadd.s32 $0x20, s30  }
0x45: {  	[tilespmem:s21], [sflag:$0x3] =	stream.linear.gather [hbm4b:s31+s3], $0x80, $0x38;
	[tilespmem:$0x1C200] =	vst v63  }
0x46: {  	p0 =	sne.s32 s30, $0x4C0;
	_ =	swait.ge [sflag:s18], $0x80  }
0x47: {  	[sflag:s18] =	ssyncset.done $0x0  }
0x48: {  	s30 =	sadd.s32 s28, s15;
	[sflag:s18] =	ssyncadd.s32 $0xFFFFFF80  }
0x49: {  	[tilespmem:s22], [sflag:$0x3] =	stream.linear.gather [hbm4b:s30+s3], $0x80, $0x38;
	[tilespmem:$0x1C200] =	vst v63  }
0x4a: {  	_ =	swait.ge [sflag:s18], $0x80  }
0x4b: {  	[sflag:s18] =	ssyncset.done $0x0  }
0x4c: {  	[sflag:s18] =	ssyncadd.s32 $0xFFFFFF80  }
0x4d: {  	[tilespmem:s23], [sflag:$0x2] =	stream.indirect.gather [hbm4b:s4+s19], $0x80, s21, s19, $0xb8;
	[tilespmem:$0x1C200] =	vst v63  }
0x4e: {  	_ =	swait.ge [sflag:s24], $0x4000  }
0x4f: {  	[sflag:s24] =	ssyncset.done $0x0  }
0x50: {  	[sflag:s24] =	ssyncadd.s32 $0xFFFFC000  }
0x51: {  	[spmem:s2] =	stream.indirect.scatter.add.f32 [tilespmem:s20], [sflag:$0x3], $0x80, s19, s19, $0xb8;
	[tilespmem:$0x1C200] =	vst v63  }
0x52: {  	_ =	swait.ge [sflag:s18], $0x4000  }
0x53: {  	[sflag:s18] =	ssyncset.done $0x0  }
0x54: {  	s30 =	sadd.s32 s28, s14;
	[sflag:s18] =	ssyncadd.s32 $0xFFFFC000  }
0x55: {  	[tilespmem:s3], [sflag:$0x3] =	stream.linear.gather [hbm4b:s30+s3], $0x80, $0x38;
	[tilespmem:$0x1C200] =	vst v63  }
0x56: {  	_ =	swait.ge [sflag:s18], $0x80  }
0x57: {  	[sflag:s18] =	ssyncset.done $0x0  }
0x58: {  	s30 =	sadd.s32 s28, s13;
	s28 =	smov.u32 s0;
	[sflag:s18] =	ssyncadd.s32 $0xFFFFFF80  }
0x59: {  	[tilespmem:s19], [sflag:$0x3] =	stream.linear.gather [hbm4b:s30+s3], $0x80, $0x38;
	[tilespmem:$0x1C200] =	vst v63  }
0x5a: {  	_ =	swait.ge [sflag:s18], $0x80  }
0x5b: {  	[sflag:s18] =	ssyncset.done $0x0  }
0x5c: {  	[sflag:s18] =	ssyncadd.s32 $0xFFFFFF80  }
0x5d: {  	[tilespmem:s20], [sflag:$0x1] =	stream.indirect.gather [hbm4b:s4+s19], $0x80, s3, s19, $0xb8;
	[tilespmem:$0x1C200] =	vst v63  }
0x5e: {  	_ =	swait.ge [sflag:s25], $0x4000  }
.Ltmp0:
0x5f: {  	[sflag:s25] =	ssyncset.done $0x0;
	(pc) =	sbr.rel @p0 .LBB2_2-.Ltmp0, $4  }
0x60: {  	[sflag:s25] =	ssyncadd.s32 $0xFFFFC000  }
0x61: {  	[spmem:s2] =	stream.indirect.scatter.add.f32 [tilespmem:s23], [sflag:$0x3], $0x80, s22, s19, $0xb8;
	[tilespmem:$0x1C200] =	vst v63  }
0x62: {  	_ =	swait.ge [sflag:s18], $0x4000  }
0x63: {  	s30 =	smov.u32 s29;
	[sflag:s18] =	ssyncset.done $0x0  }
0x64: {  	s0 =	sadd.s32 s28, s16;
	[sflag:s18] =	ssyncadd.s32 $0xFFFFC000  }
0x65: {  	[tilespmem:s21], [sflag:$0x3] =	stream.linear.gather [hbm4b:s0+s3], $0x80, $0x38;
	[tilespmem:$0x1C200] =	vst v63  }
0x66: {  	_ =	swait.ge [sflag:s18], $0x80  }
0x67: {  	[sflag:s18] =	ssyncset.done $0x0  }
0x68: {  	s29 =	sadd.s32 s28, s15;
	[sflag:s18] =	ssyncadd.s32 $0xFFFFFF80  }
0x69: {  	[tilespmem:s22], [sflag:$0x3] =	stream.linear.gather [hbm4b:s29+s3], $0x80, $0x38;
	[tilespmem:$0x1C200] =	vst v63  }
0x6a: {  	_ =	swait.ge [sflag:s18], $0x80  }
0x6b: {  	[sflag:s18] =	ssyncset.done $0x0  }
0x6c: {  	[sflag:s18] =	ssyncadd.s32 $0xFFFFFF80  }
0x6d: {  	[tilespmem:s23], [sflag:$0x2] =	stream.indirect.gather [hbm4b:s4+s19], $0x80, s21, s19, $0xb8;
	[tilespmem:$0x1C200] =	vst v63  }
0x6e: {  	_ =	swait.ge [sflag:s24], $0x4000  }
0x6f: {  	[sflag:s24] =	ssyncset.done $0x0  }
0x70: {  	[sflag:s24] =	ssyncadd.s32 $0xFFFFC000  }
0x71: {  	[spmem:s2] =	stream.indirect.scatter.add.f32 [tilespmem:s20], [sflag:$0x3], $0x80, s19, s19, $0xb8;
	[tilespmem:$0x1C200] =	vst v63  }
0x72: {  	_ =	swait.ge [sflag:s18], $0x4000  }
0x73: {  	[sflag:s18] =	ssyncset.done $0x0  }
0x74: {  	s30 =	sadd.s32 s28, s14;
	[sflag:s18] =	ssyncadd.s32 $0xFFFFC000  }
0x75: {  	[tilespmem:s3], [sflag:$0x3] =	stream.linear.gather [hbm4b:s30+s3], $0x80, $0x38;
	[tilespmem:$0x1C200] =	vst v63  }
0x76: {  	_ =	swait.ge [sflag:s18], $0x80  }
0x77: {  	[sflag:s18] =	ssyncset.done $0x0  }
0x78: {  	s31 =	sadd.s32 s28, s13;
	[sflag:s18] =	ssyncadd.s32 $0xFFFFFF80  }
0x79: {  	[tilespmem:s19], [sflag:$0x3] =	stream.linear.gather [hbm4b:s31+s3], $0x80, $0x38;
	[tilespmem:$0x1C200] =	vst v63  }
0x7a: {  	_ =	swait.ge [sflag:s18], $0x80  }
0x7b: {  	[sflag:s18] =	ssyncset.done $0x0  }
0x7c: {  	[sflag:s18] =	ssyncadd.s32 $0xFFFFFF80  }
0x7d: {  	[tilespmem:s20], [sflag:$0x1] =	stream.indirect.gather [hbm4b:s4+s19], $0x80, s3, s19, $0xb8;
	[tilespmem:$0x1C200] =	vst v63  }
0x7e: {  	_ =	swait.ge [sflag:s25], $0x4000  }
0x7f: {  	[sflag:s25] =	ssyncset.done $0x0  }
0x80: {  	[sflag:s25] =	ssyncadd.s32 $0xFFFFC000  }
0x81: {  	[spmem:s2] =	stream.indirect.scatter.add.f32 [tilespmem:s23], [sflag:$0x3], $0x80, s22, s19, $0xb8;
	[tilespmem:$0x1C200] =	vst v63  }
0x82: {  	_ =	swait.ge [sflag:s18], $0x4000  }
0x83: {  	[sflag:s18] =	ssyncset.done $0x0  }
0x84: {  	[sflag:s18] =	ssyncadd.s32 $0xFFFFC000  }
0x85: {  	[tilespmem:s21], [sflag:$0x3] =	stream.linear.gather [hbm4b:s11+s3], $0x80, $0x38;
	[tilespmem:$0x1C200] =	vst v63  }
0x86: {  	_ =	swait.ge [sflag:s18], $0x80  }
0x87: {  	[sflag:s18] =	ssyncset.done $0x0  }
0x88: {  	[sflag:s18] =	ssyncadd.s32 $0xFFFFFF80  }
0x89: {  	[tilespmem:s22], [sflag:$0x3] =	stream.linear.gather [hbm4b:s12+s3], $0x80, $0x38;
	[tilespmem:$0x1C200] =	vst v63  }
0x8a: {  	_ =	swait.ge [sflag:s18], $0x80  }
0x8b: {  	[sflag:s18] =	ssyncset.done $0x0  }
0x8c: {  	[sflag:s18] =	ssyncadd.s32 $0xFFFFFF80  }
0x8d: {  	[tilespmem:s23], [sflag:$0x2] =	stream.indirect.gather [hbm4b:s4+s19], $0x80, s21, s19, $0xb8;
	[tilespmem:$0x1C200] =	vst v63  }
0x8e: {  	_ =	swait.ge [sflag:s24], $0x4000  }
0x8f: {  	[sflag:s24] =	ssyncset.done $0x0  }
0x90: {  	[sflag:s24] =	ssyncadd.s32 $0xFFFFC000  }
0x91: {  	[spmem:s2] =	stream.indirect.scatter.add.f32 [tilespmem:s20], [sflag:$0x3], $0x80, s19, s19, $0xb8;
	[tilespmem:$0x1C200] =	vst v63  }
0x92: {  	_ =	swait.ge [sflag:s18], $0x4000  }
0x93: {  	[sflag:s18] =	ssyncset.done $0x0  }
0x94: {  	[sflag:s18] =	ssyncadd.s32 $0xFFFFC000  }
0x95: {  	_ =	swait.ge [sflag:s25], $0x4000  }
0x96: {  	[sflag:s25] =	ssyncset.done $0x0  }
0x97: {  	[sflag:s25] =	ssyncadd.s32 $0xFFFFC000  }
0x98: {  	[spmem:s2] =	stream.indirect.scatter.add.f32 [tilespmem:s23], [sflag:$0x3], $0x80, s22, s19, $0xb8;
	[tilespmem:$0x1C200] =	vst v63  }
0x99: {  	_ =	swait.ge [sflag:s18], $0x4000  }
0x9a: {  	s26 =	sadd.s32 $0x1, s26;
	[sflag:s18] =	ssyncset.done $0x0  }
0x9b: {  	p0 =	sne.s32 s26, s10;
	[sflag:s18] =	ssyncadd.s32 $0xFFFFC000  }
.Ltmp1:
0x9c: {  	[bflag:$0x0] =	sbarrier.arrive $0xFFFF;
	(pc) =	sbr.rel @p0 .LBB2_1-.Ltmp1, $4  }
0x9d: {  	[hbm:s9], [sflag:s6] =	dma.local [spmem:s17], $0x2800  }
0x9e: {  	_ =	swait.ge [sflag:s18], $0x2800  }
0x9f: {  	[sflag:s18] =	ssyncset.done $0x0  }
0xa0: {  	[sflag:s18] =	ssyncadd.s32 $0xFFFFD800  }
0xa1: {  	_ =	sfence.sel $0x180000  }
0xa2: {  	[bflag:$0x0] =	sbarrier.arrive $0xFFFF  }
0xa3: {  	_ =	strace $0x9000004A  }
0xa4: {  	[bflag:$0x2] =	sbarrier.arrive $0xFFFF  }
0xa5: {  	p0 =	sne.s32 s1, $0x0;
	s0 =	rddreg [dreg:$0x2]  }
0xa6: {  	s0 =	sadd.s32 @!p0 $0x100000, s0  }
0xa7: {  	[sflag:s0] =	ssyncadd.tile.s32 @!p0 $0x1;
	_ =	shalt  }
.Lfunc_end2:
_tile_overlayer_lowered:
.L_overlay_start_2:
0xa8: {  	(tag) =	ssettag $0x2  }
0xa9: {  	s0 =	rddreg [dreg:$0x0];
	s2 =	stileid.u32  }
0xaa: {  	s1 =	rddreg [dreg:$0x1];
	p0 =	sne.s32 s2, $0x0  }
0xab: {  	s3 =	rddreg [dreg:$0x2];
	[bflag:$0x3] =	sbarrier.arrive $0xFFFF;
	s2 =	simm.s32 @!p0 $0x1C03  }
0xac: {  	[timem:s3], [sflag:s2] =	dma.local @!p0 [hbm:s0], s1  }
0xad: {  	s0 =	simm.s32 @!p0 $0x3  }
0xae: {  	_ =	swait.ge @!p0 [sflag:s0], s1  }
0xaf: {  	s1 =	ssub.s32 @!p0 $0x0, s1;
	[sflag:s0] =	ssyncset.done @!p0 $0x0  }
0xb0: {  	[sflag:s0] =	ssyncadd.s32 @!p0 s1  }
0xb1: {  	[bflag:$0x3] =	sbarrier.arrive $0xFFFF  }
0xb2: {  	_ =	shalt  }

</sc_bundles>
